<compile_context>
chip_gen: v7x
topology: tpu7x:2x2x1
jax: 0.10.2.dev20260603
libtpu: 0.0.44.dev20260713+nightly
codegen_flags: <defaults>
</compile_context>

<pallas_src>
import functools

import jax
import jax.numpy as jnp
from jax import lax
from jax.experimental import pallas as pl
from jax.experimental.pallas import tpu as pltpu
from jax.experimental.pallas import tpu_sc as plsc

NC = 2
NS = 16
F = 128
CH = 128


def _round_up(a, b):
    return (a + b - 1) // b * b


def _sc_mesh():
    return plsc.VectorSubcoreMesh(
        core_axis_name="c", subcore_axis_name="s", num_cores=NC, num_subcores=NS
    )




def _make_deg_kernel(n_pad, e_pad):
    rt = n_pad // NS
    cpw = e_pad // (NC * NS * CH)

    def body(col_hbm, ones_hbm, zeros_hbm, out_hbm, idx_v, ones_v, shared):
        c = lax.axis_index("c")
        t = lax.axis_index("s")
        w = c * NS + t
        pltpu.sync_copy(col_hbm.at[w], idx_v)
        pltpu.sync_copy(ones_hbm, ones_v)
        pltpu.sync_copy(zeros_hbm, shared.at[pl.ds(t * rt, rt)])
        plsc.subcore_barrier()

        def chunk(i, _):
            pltpu.sync_copy(ones_v, shared.at[idx_v.at[i]], add=True)
            return 0

        lax.fori_loop(0, cpw, chunk, 0)
        plsc.subcore_barrier()
        pltpu.sync_copy(
            shared.at[pl.ds(t * rt, rt)],
            out_hbm.at[pl.ds(c * n_pad + t * rt, rt)],
        )

    return pl.kernel(
        body,
        out_type=jax.ShapeDtypeStruct((NC * n_pad, F), jnp.float32),
        mesh=_sc_mesh(),
        scratch_types=[
            pltpu.VMEM((cpw, CH), jnp.int32),
            pltpu.VMEM((CH, F), jnp.float32),
            pltpu.VMEM_SHARED((n_pad, F), jnp.float32),
        ],
    )


def _make_agg_kernel(n_pad, e_pad, n_slices):
    rt = n_pad // NS
    cpt = e_pad // (NS * CH)
    spc = n_slices // NC

    def body(g_hbm, row_hbm, col_hbm, zeros_hbm, out_hbm, idx_r, idx_c, buf, shared):
        c = lax.axis_index("c")
        t = lax.axis_index("s")
        pltpu.sync_copy(col_hbm.at[t], idx_c)
        for j in range(spc):
            s = c * spc + j
            pltpu.sync_copy(row_hbm.at[s * NS + t], idx_r)
            pltpu.sync_copy(zeros_hbm, shared.at[pl.ds(t * rt, rt)])
            plsc.subcore_barrier()

            def chunk(i, _):
                pltpu.sync_copy(g_hbm.at[idx_r.at[i]], buf)
                pltpu.sync_copy(buf, shared.at[idx_c.at[i]], add=True)
                return 0

            lax.fori_loop(0, cpt, chunk, 0)
            plsc.subcore_barrier()
            pltpu.sync_copy(
                shared.at[pl.ds(t * rt, rt)],
                out_hbm.at[pl.ds(s * n_pad + t * rt, rt)],
            )

    return pl.kernel(
        body,
        out_type=jax.ShapeDtypeStruct((n_slices * n_pad, F), jnp.float32),
        mesh=_sc_mesh(),
        scratch_types=[
            pltpu.VMEM((cpt, CH), jnp.int32),
            pltpu.VMEM((cpt, CH), jnp.int32),
            pltpu.VMEM((CH, F), jnp.float32),
            pltpu.VMEM_SHARED((n_pad, F), jnp.float32),
        ],
    )




def _dis_from_deg(deg_ref):
    deg = deg_ref[0, :, 0:1] + deg_ref[1, :, 0:1] + 1.0
    return lax.rsqrt(deg)


def _mm1_body(x_ref, w_ref, b_ref, deg_ref, out_ref):
    dis = _dis_from_deg(deg_ref)
    x = x_ref[...]
    w = w_ref[...]
    b = b_ref[...]
    ns = out_ref.shape[0]
    for s in range(ns):
        h = lax.dot_general(
            x, w[s * F:(s + 1) * F, :], (((1,), (1,)), ((), ())),
            preferred_element_type=jnp.float32,
        )
        out_ref[s] = dis * (h + b[:, s * F:(s + 1) * F])


def _mm2_body(agg_ref, g_ref, w_ref, b_ref, deg_ref, out_ref):
    dis = _dis_from_deg(deg_ref)
    w = w_ref[...]
    b = b_ref[...]
    ns = out_ref.shape[0]
    hs = [jax.nn.relu(dis * (agg_ref[k] + g_ref[k])) for k in range(ns)]
    for s in range(ns):
        acc = None
        for k in range(ns):
            p = lax.dot_general(
                hs[k], w[s * F:(s + 1) * F, k * F:(k + 1) * F],
                (((1,), (1,)), ((), ())), preferred_element_type=jnp.float32,
            )
            acc = p if acc is None else acc + p
        out_ref[s] = dis * (acc + b[:, s * F:(s + 1) * F])


def _mm3_body(agg_ref, g_ref, w_ref, b_ref, deg_ref, out_ref):
    dis = _dis_from_deg(deg_ref)
    w = w_ref[...]
    ns = agg_ref.shape[0]
    acc = None
    for k in range(ns):
        h = jax.nn.relu(dis * (agg_ref[k] + g_ref[k]))
        p = lax.dot_general(
            h, w[:, k * F:(k + 1) * F], (((1,), (1,)), ((), ())),
            preferred_element_type=jnp.float32,
        )
        acc = p if acc is None else acc + p
    out_ref[...] = acc + b_ref[...]




def kernel(x, edge_index, W1, b1, W2, b2, W3, b3):
    n, d_in = x.shape
    e = edge_index.shape[1]
    d_h = W1.shape[0]
    d_out = W3.shape[0]
    ns = d_h // F

    n_pad = _round_up(n, NS * CH)
    e_pad = _round_up(e, NC * NS * CH)
    rt = n_pad // NS
    br = 1024
    nr = n_pad // br

    f32 = jnp.float32
    row = edge_index[0]
    col = edge_index[1]
    row_pad = jnp.concatenate([row, jnp.zeros((e_pad - e,), jnp.int32)])
    col_pad = jnp.concatenate(
        [col, jnp.full((e_pad - e,), n_pad - 1, jnp.int32)]
    )
    row_r = row_pad.reshape(1, NS, e_pad // (NS * CH), CH)
    offs = (jnp.arange(ns, dtype=jnp.int32) * n_pad).reshape(ns, 1, 1, 1)
    row_all = (row_r + offs).reshape(ns * NS, e_pad // (NS * CH), CH)
    col_agg = col_pad.reshape(NS, e_pad // (NS * CH), CH)
    col_deg = col_pad.reshape(NC * NS, e_pad // (NC * NS * CH), CH)

    x_pad = jnp.pad(x, ((0, n_pad - n), (0, 0)))
    zeros_f = jnp.zeros((rt, F), f32)
    ones_f = jnp.ones((CH, F), f32)
    b1r = b1.reshape(1, d_h)
    b2r = b2.reshape(1, d_h)
    b3r = b3.reshape(1, d_out)

    deg2 = _make_deg_kernel(n_pad, e_pad)(col_deg, ones_f, zeros_f)
    deg2 = deg2.reshape(NC, n_pad, F)

    agg_fn = _make_agg_kernel(n_pad, e_pad, ns)

    deg_spec = pl.BlockSpec((NC, br, F), lambda i: (0, i, 0))
    sl_spec = pl.BlockSpec((ns, br, F), lambda i: (0, i, 0))

    g1 = pl.pallas_call(
        _mm1_body,
        grid=(nr,),
        in_specs=[
            pl.BlockSpec((br, d_in), lambda i: (i, 0)),
            pl.BlockSpec((d_h, d_in), lambda i: (0, 0)),
            pl.BlockSpec((1, d_h), lambda i: (0, 0)),
            deg_spec,
        ],
        out_specs=sl_spec,
        out_shape=jax.ShapeDtypeStruct((ns, n_pad, F), f32),
    )(x_pad, W1, b1r, deg2)

    agg1 = agg_fn(
        g1.reshape(ns * n_pad, F), row_all, col_agg, zeros_f
    ).reshape(ns, n_pad, F)

    g2 = pl.pallas_call(
        _mm2_body,
        grid=(nr,),
        in_specs=[
            sl_spec,
            sl_spec,
            pl.BlockSpec((d_h, d_h), lambda i: (0, 0)),
            pl.BlockSpec((1, d_h), lambda i: (0, 0)),
            deg_spec,
        ],
        out_specs=sl_spec,
        out_shape=jax.ShapeDtypeStruct((ns, n_pad, F), f32),
    )(agg1, g1, W2, b2r, deg2)

    agg2 = agg_fn(
        g2.reshape(ns * n_pad, F), row_all, col_agg, zeros_f
    ).reshape(ns, n_pad, F)

    out = pl.pallas_call(
        _mm3_body,
        grid=(nr,),
        in_specs=[
            sl_spec,
            sl_spec,
            pl.BlockSpec((d_out, d_h), lambda i: (0, 0)),
            pl.BlockSpec((1, d_out), lambda i: (0, 0)),
            deg_spec,
        ],
        out_specs=pl.BlockSpec((br, d_out), lambda i: (i, 0)),
        out_shape=jax.ShapeDtypeStruct((n_pad, d_out), f32),
    )(agg2, g2, W3, b3r, deg2)

    return out[:n]

# --- scband reference (transcript-rebuilt; emitter-appended) ---
"""Pipeline reference for scband-mpgnn-30923764531406 (READ-ONLY COPY).

The authoritative reference and input builder live on the scoring server;
editing this copy changes nothing except your own understanding.
"""

import jax, jax.numpy as jnp
import numpy as np

N = 10000
E = 160000
D_IN = 256
D_H = 512
D_OUT = 64


def _linear_init(key, out_f, in_f):
    k1, k2 = jax.random.split(key)
    bound = 1.0 / np.sqrt(in_f)
    W = jax.random.uniform(k1, (out_f, in_f), minval=-bound, maxval=bound, dtype=jnp.float32)
    b = jax.random.uniform(k2, (out_f,), minval=-bound, maxval=bound, dtype=jnp.float32)
    return W, b


def setup_inputs(seed: int = 0) -> dict:
    key = jax.random.key(seed)
    ks = jax.random.split(key, 5)
    x = jax.random.normal(ks[0], (N, D_IN), dtype=jnp.float32)
    edge_index = jax.random.randint(ks[1], (2, E), 0, N, dtype=jnp.int32)
    W1, b1 = _linear_init(ks[2], D_H, D_IN)
    W2, b2 = _linear_init(ks[3], D_H, D_H)
    W3, b3 = _linear_init(ks[4], D_OUT, D_H)
    return {"x": x, "edge_index": edge_index, "W1": W1, "b1": b1, "W2": W2, "b2": b2, "W3": W3, "b3": b3}


def _gnn_conv(x, edge_index, W, b):
    # add_self_loops
    n = x.shape[0]
    loops = jnp.arange(n, dtype=edge_index.dtype)
    row = jnp.concatenate([edge_index[0], loops])
    col = jnp.concatenate([edge_index[1], loops])
    # degree over col (destination), computed on edge_index WITH self loops
    deg = jnp.zeros((n,), x.dtype).at[col].add(1.0)
    deg_inv_sqrt = jax.lax.rsqrt(deg)  # deg >= 1 due to self loops
    norm = deg_inv_sqrt[row] * deg_inv_sqrt[col]
    # message: norm * lin(x_j) where x_j = x[row] (source nodes)
    msg = norm[:, None] * (x[row] @ W.T + b)
    # aggregate 'add' at destination col
    out = jnp.zeros((n, W.shape[0]), x.dtype).at[col].add(msg)
    return out


def reference(x, edge_index, W1, b1, W2, b2, W3, b3):
    # dropout is identity (eval-mode deterministic reference)
    h = jax.nn.relu(_gnn_conv(x, edge_index, W1, b1))
    h = jax.nn.relu(_gnn_conv(h, edge_index, W2, b2))
    return h @ W3.T + b3

if __name__ == "__main__":
    import jax
    _d = setup_inputs()
    print(jax.jit(kernel)(*tuple(_d.values())))

</pallas_src>

<mosaic_0001>
#map = affine_map<(d0, d1) -> (0, 0)>
#map1 = affine_map<(d0, d1) -> (0, 0, 0)>
module attributes {stable_mosaic.version = 14 : i64} {
  func.func @body(%arg0: i32, %arg1: i32, %arg2: memref<40960x128xf32, #tpu.memory_space<hbm>>, %arg3: memref<64x80x128xi32, #tpu.memory_space<hbm>>, %arg4: memref<16x80x128xi32, #tpu.memory_space<hbm>>, %arg5: memref<640x128xf32, #tpu.memory_space<hbm>>, %arg6: memref<40960x128xf32, #tpu.memory_space<hbm>>, %arg7: memref<80x128xi32, #tpu.memory_space<vmem>>, %arg8: memref<80x128xi32, #tpu.memory_space<vmem>>, %arg9: memref<128x128xf32, #tpu.memory_space<vmem>>, %arg10: memref<10240x128xf32, #tpu.memory_space<vmem_shared>>) attributes {dimension_semantics = [#tpu.dimension_semantics<core_parallel>, #tpu.dimension_semantics<subcore_parallel>], iteration_bounds = array<i64: 2, 16>, scalar_prefetch = 0 : i64, scratch_operands = 4 : i64, tpu.core_type = #tpu.core_type<sc_vector_subcore>, window_params = [{transform_indices = #map}, {transform_indices = #map1}, {transform_indices = #map1}, {transform_indices = #map}, {transform_indices = #map}]} {
    "tpu.region"() ({
      %run_scoped3A = tpu.sem_alloc : memref<!tpu.dma_semaphore, #tpu.memory_space<semaphore_mem>>
      %dma_start3A = arith.constant 0 : i32
      %dma_start3A_46 = arith.constant 0 : i32
      %dma_start3A_47 = tpu.memref_slice %arg4[%arg1, %dma_start3A, %dma_start3A_46] : memref<16x80x128xi32, #tpu.memory_space<hbm>> -> memref<1x80x128xi32, #tpu.memory_space<hbm>>
      %dma_start3A_48 = tpu.memref_squeeze %dma_start3A_47 : memref<1x80x128xi32, #tpu.memory_space<hbm>> -> memref<80x128xi32, #tpu.memory_space<hbm>>
      %dma_start3A_49 = arith.constant 0 : i32
      %dma_start3A_50 = arith.constant 0 : i32
      %dma_start3A_51 = tpu.memref_slice %arg4[%arg1, %dma_start3A_49, %dma_start3A_50] : memref<16x80x128xi32, #tpu.memory_space<hbm>> -> memref<1x80x128xi32, #tpu.memory_space<hbm>>
      %dma_start3A_52 = tpu.memref_squeeze %dma_start3A_51 : memref<1x80x128xi32, #tpu.memory_space<hbm>> -> memref<80x128xi32, #tpu.memory_space<hbm>>
      tpu.enqueue_dma source(%dma_start3A_52 : memref<80x128xi32, #tpu.memory_space<hbm>>) target(%arg8 : memref<80x128xi32, #tpu.memory_space<vmem>>) target_semaphore(%run_scoped3A : memref<!tpu.dma_semaphore, #tpu.memory_space<semaphore_mem>>)
      %dma_wait3A = arith.constant 0 : i32
      %dma_wait3A_53 = arith.constant 0 : i32
      %dma_wait3A_54 = tpu.memref_slice %arg4[%arg1, %dma_wait3A, %dma_wait3A_53] : memref<16x80x128xi32, #tpu.memory_space<hbm>> -> memref<1x80x128xi32, #tpu.memory_space<hbm>>
      %dma_wait3A_55 = tpu.memref_squeeze %dma_wait3A_54 : memref<1x80x128xi32, #tpu.memory_space<hbm>> -> memref<80x128xi32, #tpu.memory_space<hbm>>
      %dma_wait3A_56 = arith.constant 0 : i32
      %dma_wait3A_57 = arith.constant 0 : i32
      %dma_wait3A_58 = tpu.memref_slice %arg4[%arg1, %dma_wait3A_56, %dma_wait3A_57] : memref<16x80x128xi32, #tpu.memory_space<hbm>> -> memref<1x80x128xi32, #tpu.memory_space<hbm>>
      %dma_wait3A_59 = tpu.memref_squeeze %dma_wait3A_58 : memref<1x80x128xi32, #tpu.memory_space<hbm>> -> memref<80x128xi32, #tpu.memory_space<hbm>>
      tpu.wait_dma2 semaphore(%run_scoped3A : memref<!tpu.dma_semaphore, #tpu.memory_space<semaphore_mem>>) src(%dma_wait3A_59 : memref<80x128xi32, #tpu.memory_space<hbm>>) dst(%arg8 : memref<80x128xi32, #tpu.memory_space<vmem>>)
      tpu.yield
    }) : () -> ()
    %mul3A = arith.constant 2 : i32
    %mul3A_0 = arith.muli %arg0, %mul3A : i32
    %add3A = arith.constant 0 : i32
    %add3A_1 = arith.addi %mul3A_0, %add3A : i32
    %mul3A_2 = arith.constant 16 : i32
    %mul3A_3 = arith.muli %add3A_1, %mul3A_2 : i32
    %add3A_4 = arith.addi %mul3A_3, %arg1 : i32
    "tpu.region"() ({
      %run_scoped3A = tpu.sem_alloc : memref<!tpu.dma_semaphore, #tpu.memory_space<semaphore_mem>>
      %dma_start3A = arith.constant 0 : i32
      %dma_start3A_46 = arith.constant 0 : i32
      %dma_start3A_47 = tpu.memref_slice %arg3[%add3A_4, %dma_start3A, %dma_start3A_46] : memref<64x80x128xi32, #tpu.memory_space<hbm>> -> memref<1x80x128xi32, #tpu.memory_space<hbm>>
      %dma_start3A_48 = tpu.memref_squeeze %dma_start3A_47 : memref<1x80x128xi32, #tpu.memory_space<hbm>> -> memref<80x128xi32, #tpu.memory_space<hbm>>
      %dma_start3A_49 = arith.constant 0 : i32
      %dma_start3A_50 = arith.constant 0 : i32
      %dma_start3A_51 = tpu.memref_slice %arg3[%add3A_4, %dma_start3A_49, %dma_start3A_50] : memref<64x80x128xi32, #tpu.memory_space<hbm>> -> memref<1x80x128xi32, #tpu.memory_space<hbm>>
      %dma_start3A_52 = tpu.memref_squeeze %dma_start3A_51 : memref<1x80x128xi32, #tpu.memory_space<hbm>> -> memref<80x128xi32, #tpu.memory_space<hbm>>
      tpu.enqueue_dma source(%dma_start3A_52 : memref<80x128xi32, #tpu.memory_space<hbm>>) target(%arg7 : memref<80x128xi32, #tpu.memory_space<vmem>>) target_semaphore(%run_scoped3A : memref<!tpu.dma_semaphore, #tpu.memory_space<semaphore_mem>>)
      %dma_wait3A = arith.constant 0 : i32
      %dma_wait3A_53 = arith.constant 0 : i32
      %dma_wait3A_54 = tpu.memref_slice %arg3[%add3A_4, %dma_wait3A, %dma_wait3A_53] : memref<64x80x128xi32, #tpu.memory_space<hbm>> -> memref<1x80x128xi32, #tpu.memory_space<hbm>>
      %dma_wait3A_55 = tpu.memref_squeeze %dma_wait3A_54 : memref<1x80x128xi32, #tpu.memory_space<hbm>> -> memref<80x128xi32, #tpu.memory_space<hbm>>
      %dma_wait3A_56 = arith.constant 0 : i32
      %dma_wait3A_57 = arith.constant 0 : i32
      %dma_wait3A_58 = tpu.memref_slice %arg3[%add3A_4, %dma_wait3A_56, %dma_wait3A_57] : memref<64x80x128xi32, #tpu.memory_space<hbm>> -> memref<1x80x128xi32, #tpu.memory_space<hbm>>
      %dma_wait3A_59 = tpu.memref_squeeze %dma_wait3A_58 : memref<1x80x128xi32, #tpu.memory_space<hbm>> -> memref<80x128xi32, #tpu.memory_space<hbm>>
      tpu.wait_dma2 semaphore(%run_scoped3A : memref<!tpu.dma_semaphore, #tpu.memory_space<semaphore_mem>>) src(%dma_wait3A_59 : memref<80x128xi32, #tpu.memory_space<hbm>>) dst(%arg7 : memref<80x128xi32, #tpu.memory_space<vmem>>)
      tpu.yield
    }) : () -> ()
    %mul3A_5 = arith.constant 640 : i32
    %mul3A_6 = arith.muli %arg1, %mul3A_5 : i32
    "tpu.region"() ({
      %run_scoped3A = tpu.sem_alloc : memref<!tpu.dma_semaphore, #tpu.memory_space<semaphore_mem>>
      %dma_start3A = arith.constant 0 : i32
      %dma_start3A_46 = tpu.memref_slice %arg10[%mul3A_6, %dma_start3A] : memref<10240x128xf32, #tpu.memory_space<vmem_shared>> -> memref<640x128xf32, #tpu.memory_space<vmem_shared>>
      tpu.enqueue_dma source(%arg5 : memref<640x128xf32, #tpu.memory_space<hbm>>) target(%dma_start3A_46 : memref<640x128xf32, #tpu.memory_space<vmem_shared>>) target_semaphore(%run_scoped3A : memref<!tpu.dma_semaphore, #tpu.memory_space<semaphore_mem>>)
      %dma_wait3A = arith.constant 0 : i32
      %dma_wait3A_47 = tpu.memref_slice %arg10[%mul3A_6, %dma_wait3A] : memref<10240x128xf32, #tpu.memory_space<vmem_shared>> -> memref<640x128xf32, #tpu.memory_space<vmem_shared>>
      tpu.wait_dma2 semaphore(%run_scoped3A : memref<!tpu.dma_semaphore, #tpu.memory_space<semaphore_mem>>) src(%arg5 : memref<640x128xf32, #tpu.memory_space<hbm>>) dst(%dma_wait3A_47 : memref<640x128xf32, #tpu.memory_space<vmem_shared>>)
      tpu.yield
    }) : () -> ()
    %barrier3A = arith.constant 0 : index
    tpu.barrier barrier_id(%barrier3A)
    %scan3A = arith.constant 0 : i32
    %scan3A_7 = arith.constant 0 : i32
    %scan3A_8 = arith.constant 80 : i32
    %scan3A_9 = arith.addi %scan3A_7, %scan3A_8 : i32
    %scan3A_10 = arith.constant 1 : i32
    %scan3A_11 = scf.for %scan3A_46 = %scan3A_7 to %scan3A_9 step %scan3A_10 iter_args(%scan3A_47 = %scan3A) -> (i32)  : i32 {
      "tpu.region"() ({
        %run_scoped3A = tpu.sem_alloc : memref<!tpu.dma_semaphore, #tpu.memory_space<semaphore_mem>>
        %dma_start3A = arith.constant 0 : i32
        %dma_start3A_49 = tpu.memref_slice %arg7[%scan3A_46, %dma_start3A] : memref<80x128xi32, #tpu.memory_space<vmem>> -> memref<1x128xi32, #tpu.memory_space<vmem>>
        %dma_start3A_50 = tpu.memref_squeeze %dma_start3A_49 : memref<1x128xi32, #tpu.memory_space<vmem>> -> memref<128xi32, #tpu.memory_space<vmem>>
        %dma_start3A_51 = arith.constant 0 : i32
        %dma_start3A_52 = arith.constant 0 : i32
        %dma_start3A_53 = tpu.memref_slice %arg2[%dma_start3A_51, %dma_start3A_52] : memref<40960x128xf32, #tpu.memory_space<hbm>> -> memref<40960x128xf32, #tpu.memory_space<hbm>>
        tpu.enqueue_indirect_dma source(%dma_start3A_53 : memref<40960x128xf32, #tpu.memory_space<hbm>>) target(%arg9 : memref<128x128xf32, #tpu.memory_space<vmem>>) offsets(%dma_start3A_50 : memref<128xi32, #tpu.memory_space<vmem>>) semaphore(%run_scoped3A : memref<!tpu.dma_semaphore, #tpu.memory_space<semaphore_mem>>)
        %dma_wait3A = arith.constant 0 : i32
        %dma_wait3A_54 = tpu.memref_slice %arg7[%scan3A_46, %dma_wait3A] : memref<80x128xi32, #tpu.memory_space<vmem>> -> memref<1x128xi32, #tpu.memory_space<vmem>>
        %dma_wait3A_55 = tpu.memref_squeeze %dma_wait3A_54 : memref<1x128xi32, #tpu.memory_space<vmem>> -> memref<128xi32, #tpu.memory_space<vmem>>
        %dma_wait3A_56 = arith.constant 0 : i32
        %dma_wait3A_57 = arith.constant 0 : i32
        %dma_wait3A_58 = tpu.memref_slice %arg2[%dma_wait3A_56, %dma_wait3A_57] : memref<40960x128xf32, #tpu.memory_space<hbm>> -> memref<40960x128xf32, #tpu.memory_space<hbm>>
        tpu.wait_indirect_dma semaphore(%run_scoped3A : memref<!tpu.dma_semaphore, #tpu.memory_space<semaphore_mem>>) src(%dma_wait3A_58 : memref<40960x128xf32, #tpu.memory_space<hbm>>) dst(%arg9 : memref<128x128xf32, #tpu.memory_space<vmem>>)
        tpu.yield
      }) : () -> ()
      "tpu.region"() ({
        %run_scoped3A = tpu.sem_alloc : memref<!tpu.dma_semaphore, #tpu.memory_space<semaphore_mem>>
        %dma_start3A = arith.constant 0 : i32
        %dma_start3A_49 = tpu.memref_slice %arg8[%scan3A_46, %dma_start3A] : memref<80x128xi32, #tpu.memory_space<vmem>> -> memref<1x128xi32, #tpu.memory_space<vmem>>
        %dma_start3A_50 = tpu.memref_squeeze %dma_start3A_49 : memref<1x128xi32, #tpu.memory_space<vmem>> -> memref<128xi32, #tpu.memory_space<vmem>>
        %dma_start3A_51 = arith.constant 0 : i32
        %dma_start3A_52 = arith.constant 0 : i32
        %dma_start3A_53 = tpu.memref_slice %arg10[%dma_start3A_51, %dma_start3A_52] : memref<10240x128xf32, #tpu.memory_space<vmem_shared>> -> memref<10240x128xf32, #tpu.memory_space<vmem_shared>>
        tpu.enqueue_indirect_dma source(%arg9 : memref<128x128xf32, #tpu.memory_space<vmem>>) target(%dma_start3A_53 : memref<10240x128xf32, #tpu.memory_space<vmem_shared>>) offsets(%dma_start3A_50 : memref<128xi32, #tpu.memory_space<vmem>>) semaphore(%run_scoped3A : memref<!tpu.dma_semaphore, #tpu.memory_space<semaphore_mem>>) {add = true}
        %dma_wait3A = arith.constant 0 : i32
        %dma_wait3A_54 = tpu.memref_slice %arg8[%scan3A_46, %dma_wait3A] : memref<80x128xi32, #tpu.memory_space<vmem>> -> memref<1x128xi32, #tpu.memory_space<vmem>>
        %dma_wait3A_55 = tpu.memref_squeeze %dma_wait3A_54 : memref<1x128xi32, #tpu.memory_space<vmem>> -> memref<128xi32, #tpu.memory_space<vmem>>
        %dma_wait3A_56 = arith.constant 0 : i32
        %dma_wait3A_57 = arith.constant 0 : i32
        %dma_wait3A_58 = tpu.memref_slice %arg10[%dma_wait3A_56, %dma_wait3A_57] : memref<10240x128xf32, #tpu.memory_space<vmem_shared>> -> memref<10240x128xf32, #tpu.memory_space<vmem_shared>>
        tpu.wait_indirect_dma semaphore(%run_scoped3A : memref<!tpu.dma_semaphore, #tpu.memory_space<semaphore_mem>>) src(%arg9 : memref<128x128xf32, #tpu.memory_space<vmem>>) dst(%dma_wait3A_58 : memref<10240x128xf32, #tpu.memory_space<vmem_shared>>)
        tpu.yield
      }) : () -> ()
      %scan3A_48 = arith.constant 0 : i32
      scf.yield %scan3A_48 : i32
    }
    %scan3A_12 = arith.constant 80 : i32
    %barrier3A_13 = arith.constant 0 : index
    tpu.barrier barrier_id(%barrier3A_13)
    %mul3A_14 = arith.constant 640 : i32
    %mul3A_15 = arith.muli %arg1, %mul3A_14 : i32
    %mul3A_16 = arith.constant 10240 : i32
    %mul3A_17 = arith.muli %add3A_1, %mul3A_16 : i32
    %mul3A_18 = arith.constant 640 : i32
    %mul3A_19 = arith.muli %arg1, %mul3A_18 : i32
    %add3A_20 = arith.addi %mul3A_17, %mul3A_19 : i32
    "tpu.region"() ({
      %run_scoped3A = tpu.sem_alloc : memref<!tpu.dma_semaphore, #tpu.memory_space<semaphore_mem>>
      %dma_start3A = arith.constant 0 : i32
      %dma_start3A_46 = tpu.memref_slice %arg6[%add3A_20, %dma_start3A] : memref<40960x128xf32, #tpu.memory_space<hbm>> -> memref<640x128xf32, #tpu.memory_space<hbm>>
      %dma_start3A_47 = arith.constant 0 : i32
      %dma_start3A_48 = tpu.memref_slice %arg10[%mul3A_15, %dma_start3A_47] : memref<10240x128xf32, #tpu.memory_space<vmem_shared>> -> memref<640x128xf32, #tpu.memory_space<vmem_shared>>
      tpu.enqueue_dma source(%dma_start3A_48 : memref<640x128xf32, #tpu.memory_space<vmem_shared>>) target(%dma_start3A_46 : memref<640x128xf32, #tpu.memory_space<hbm>>) target_semaphore(%run_scoped3A : memref<!tpu.dma_semaphore, #tpu.memory_space<semaphore_mem>>)
      %dma_wait3A = arith.constant 0 : i32
      %dma_wait3A_49 = tpu.memref_slice %arg6[%add3A_20, %dma_wait3A] : memref<40960x128xf32, #tpu.memory_space<hbm>> -> memref<640x128xf32, #tpu.memory_space<hbm>>
      %dma_wait3A_50 = arith.constant 0 : i32
      %dma_wait3A_51 = tpu.memref_slice %arg10[%mul3A_15, %dma_wait3A_50] : memref<10240x128xf32, #tpu.memory_space<vmem_shared>> -> memref<640x128xf32, #tpu.memory_space<vmem_shared>>
      tpu.wait_dma2 semaphore(%run_scoped3A : memref<!tpu.dma_semaphore, #tpu.memory_space<semaphore_mem>>) src(%dma_wait3A_51 : memref<640x128xf32, #tpu.memory_space<vmem_shared>>) dst(%dma_wait3A_49 : memref<640x128xf32, #tpu.memory_space<hbm>>)
      tpu.yield
    }) : () -> ()
    %mul3A_21 = arith.constant 2 : i32
    %mul3A_22 = arith.muli %arg0, %mul3A_21 : i32
    %add3A_23 = arith.constant 1 : i32
    %add3A_24 = arith.addi %mul3A_22, %add3A_23 : i32
    %mul3A_25 = arith.constant 16 : i32
    %mul3A_26 = arith.muli %add3A_24, %mul3A_25 : i32
    %add3A_27 = arith.addi %mul3A_26, %arg1 : i32
    "tpu.region"() ({
      %run_scoped3A = tpu.sem_alloc : memref<!tpu.dma_semaphore, #tpu.memory_space<semaphore_mem>>
      %dma_start3A = arith.constant 0 : i32
      %dma_start3A_46 = arith.constant 0 : i32
      %dma_start3A_47 = tpu.memref_slice %arg3[%add3A_27, %dma_start3A, %dma_start3A_46] : memref<64x80x128xi32, #tpu.memory_space<hbm>> -> memref<1x80x128xi32, #tpu.memory_space<hbm>>
      %dma_start3A_48 = tpu.memref_squeeze %dma_start3A_47 : memref<1x80x128xi32, #tpu.memory_space<hbm>> -> memref<80x128xi32, #tpu.memory_space<hbm>>
      %dma_start3A_49 = arith.constant 0 : i32
      %dma_start3A_50 = arith.constant 0 : i32
      %dma_start3A_51 = tpu.memref_slice %arg3[%add3A_27, %dma_start3A_49, %dma_start3A_50] : memref<64x80x128xi32, #tpu.memory_space<hbm>> -> memref<1x80x128xi32, #tpu.memory_space<hbm>>
      %dma_start3A_52 = tpu.memref_squeeze %dma_start3A_51 : memref<1x80x128xi32, #tpu.memory_space<hbm>> -> memref<80x128xi32, #tpu.memory_space<hbm>>
      tpu.enqueue_dma source(%dma_start3A_52 : memref<80x128xi32, #tpu.memory_space<hbm>>) target(%arg7 : memref<80x128xi32, #tpu.memory_space<vmem>>) target_semaphore(%run_scoped3A : memref<!tpu.dma_semaphore, #tpu.memory_space<semaphore_mem>>)
      %dma_wait3A = arith.constant 0 : i32
      %dma_wait3A_53 = arith.constant 0 : i32
      %dma_wait3A_54 = tpu.memref_slice %arg3[%add3A_27, %dma_wait3A, %dma_wait3A_53] : memref<64x80x128xi32, #tpu.memory_space<hbm>> -> memref<1x80x128xi32, #tpu.memory_space<hbm>>
      %dma_wait3A_55 = tpu.memref_squeeze %dma_wait3A_54 : memref<1x80x128xi32, #tpu.memory_space<hbm>> -> memref<80x128xi32, #tpu.memory_space<hbm>>
      %dma_wait3A_56 = arith.constant 0 : i32
      %dma_wait3A_57 = arith.constant 0 : i32
      %dma_wait3A_58 = tpu.memref_slice %arg3[%add3A_27, %dma_wait3A_56, %dma_wait3A_57] : memref<64x80x128xi32, #tpu.memory_space<hbm>> -> memref<1x80x128xi32, #tpu.memory_space<hbm>>
      %dma_wait3A_59 = tpu.memref_squeeze %dma_wait3A_58 : memref<1x80x128xi32, #tpu.memory_space<hbm>> -> memref<80x128xi32, #tpu.memory_space<hbm>>
      tpu.wait_dma2 semaphore(%run_scoped3A : memref<!tpu.dma_semaphore, #tpu.memory_space<semaphore_mem>>) src(%dma_wait3A_59 : memref<80x128xi32, #tpu.memory_space<hbm>>) dst(%arg7 : memref<80x128xi32, #tpu.memory_space<vmem>>)
      tpu.yield
    }) : () -> ()
    %mul3A_28 = arith.constant 640 : i32
    %mul3A_29 = arith.muli %arg1, %mul3A_28 : i32
    "tpu.region"() ({
      %run_scoped3A = tpu.sem_alloc : memref<!tpu.dma_semaphore, #tpu.memory_space<semaphore_mem>>
      %dma_start3A = arith.constant 0 : i32
      %dma_start3A_46 = tpu.memref_slice %arg10[%mul3A_29, %dma_start3A] : memref<10240x128xf32, #tpu.memory_space<vmem_shared>> -> memref<640x128xf32, #tpu.memory_space<vmem_shared>>
      tpu.enqueue_dma source(%arg5 : memref<640x128xf32, #tpu.memory_space<hbm>>) target(%dma_start3A_46 : memref<640x128xf32, #tpu.memory_space<vmem_shared>>) target_semaphore(%run_scoped3A : memref<!tpu.dma_semaphore, #tpu.memory_space<semaphore_mem>>)
      %dma_wait3A = arith.constant 0 : i32
      %dma_wait3A_47 = tpu.memref_slice %arg10[%mul3A_29, %dma_wait3A] : memref<10240x128xf32, #tpu.memory_space<vmem_shared>> -> memref<640x128xf32, #tpu.memory_space<vmem_shared>>
      tpu.wait_dma2 semaphore(%run_scoped3A : memref<!tpu.dma_semaphore, #tpu.memory_space<semaphore_mem>>) src(%arg5 : memref<640x128xf32, #tpu.memory_space<hbm>>) dst(%dma_wait3A_47 : memref<640x128xf32, #tpu.memory_space<vmem_shared>>)
      tpu.yield
    }) : () -> ()
    %barrier3A_30 = arith.constant 0 : index
    tpu.barrier barrier_id(%barrier3A_30)
    %scan3A_31 = arith.constant 0 : i32
    %scan3A_32 = arith.constant 0 : i32
    %scan3A_33 = arith.constant 80 : i32
    %scan3A_34 = arith.addi %scan3A_32, %scan3A_33 : i32
    %scan3A_35 = arith.constant 1 : i32
    %scan3A_36 = scf.for %scan3A_46 = %scan3A_32 to %scan3A_34 step %scan3A_35 iter_args(%scan3A_47 = %scan3A_31) -> (i32)  : i32 {
      "tpu.region"() ({
        %run_scoped3A = tpu.sem_alloc : memref<!tpu.dma_semaphore, #tpu.memory_space<semaphore_mem>>
        %dma_start3A = arith.constant 0 : i32
        %dma_start3A_49 = tpu.memref_slice %arg7[%scan3A_46, %dma_start3A] : memref<80x128xi32, #tpu.memory_space<vmem>> -> memref<1x128xi32, #tpu.memory_space<vmem>>
        %dma_start3A_50 = tpu.memref_squeeze %dma_start3A_49 : memref<1x128xi32, #tpu.memory_space<vmem>> -> memref<128xi32, #tpu.memory_space<vmem>>
        %dma_start3A_51 = arith.constant 0 : i32
        %dma_start3A_52 = arith.constant 0 : i32
        %dma_start3A_53 = tpu.memref_slice %arg2[%dma_start3A_51, %dma_start3A_52] : memref<40960x128xf32, #tpu.memory_space<hbm>> -> memref<40960x128xf32, #tpu.memory_space<hbm>>
        tpu.enqueue_indirect_dma source(%dma_start3A_53 : memref<40960x128xf32, #tpu.memory_space<hbm>>) target(%arg9 : memref<128x128xf32, #tpu.memory_space<vmem>>) offsets(%dma_start3A_50 : memref<128xi32, #tpu.memory_space<vmem>>) semaphore(%run_scoped3A : memref<!tpu.dma_semaphore, #tpu.memory_space<semaphore_mem>>)
        %dma_wait3A = arith.constant 0 : i32
        %dma_wait3A_54 = tpu.memref_slice %arg7[%scan3A_46, %dma_wait3A] : memref<80x128xi32, #tpu.memory_space<vmem>> -> memref<1x128xi32, #tpu.memory_space<vmem>>
        %dma_wait3A_55 = tpu.memref_squeeze %dma_wait3A_54 : memref<1x128xi32, #tpu.memory_space<vmem>> -> memref<128xi32, #tpu.memory_space<vmem>>
        %dma_wait3A_56 = arith.constant 0 : i32
        %dma_wait3A_57 = arith.constant 0 : i32
        %dma_wait3A_58 = tpu.memref_slice %arg2[%dma_wait3A_56, %dma_wait3A_57] : memref<40960x128xf32, #tpu.memory_space<hbm>> -> memref<40960x128xf32, #tpu.memory_space<hbm>>
        tpu.wait_indirect_dma semaphore(%run_scoped3A : memref<!tpu.dma_semaphore, #tpu.memory_space<semaphore_mem>>) src(%dma_wait3A_58 : memref<40960x128xf32, #tpu.memory_space<hbm>>) dst(%arg9 : memref<128x128xf32, #tpu.memory_space<vmem>>)
        tpu.yield
      }) : () -> ()
      "tpu.region"() ({
        %run_scoped3A = tpu.sem_alloc : memref<!tpu.dma_semaphore, #tpu.memory_space<semaphore_mem>>
        %dma_start3A = arith.constant 0 : i32
        %dma_start3A_49 = tpu.memref_slice %arg8[%scan3A_46, %dma_start3A] : memref<80x128xi32, #tpu.memory_space<vmem>> -> memref<1x128xi32, #tpu.memory_space<vmem>>
        %dma_start3A_50 = tpu.memref_squeeze %dma_start3A_49 : memref<1x128xi32, #tpu.memory_space<vmem>> -> memref<128xi32, #tpu.memory_space<vmem>>
        %dma_start3A_51 = arith.constant 0 : i32
        %dma_start3A_52 = arith.constant 0 : i32
        %dma_start3A_53 = tpu.memref_slice %arg10[%dma_start3A_51, %dma_start3A_52] : memref<10240x128xf32, #tpu.memory_space<vmem_shared>> -> memref<10240x128xf32, #tpu.memory_space<vmem_shared>>
        tpu.enqueue_indirect_dma source(%arg9 : memref<128x128xf32, #tpu.memory_space<vmem>>) target(%dma_start3A_53 : memref<10240x128xf32, #tpu.memory_space<vmem_shared>>) offsets(%dma_start3A_50 : memref<128xi32, #tpu.memory_space<vmem>>) semaphore(%run_scoped3A : memref<!tpu.dma_semaphore, #tpu.memory_space<semaphore_mem>>) {add = true}
        %dma_wait3A = arith.constant 0 : i32
        %dma_wait3A_54 = tpu.memref_slice %arg8[%scan3A_46, %dma_wait3A] : memref<80x128xi32, #tpu.memory_space<vmem>> -> memref<1x128xi32, #tpu.memory_space<vmem>>
        %dma_wait3A_55 = tpu.memref_squeeze %dma_wait3A_54 : memref<1x128xi32, #tpu.memory_space<vmem>> -> memref<128xi32, #tpu.memory_space<vmem>>
        %dma_wait3A_56 = arith.constant 0 : i32
        %dma_wait3A_57 = arith.constant 0 : i32
        %dma_wait3A_58 = tpu.memref_slice %arg10[%dma_wait3A_56, %dma_wait3A_57] : memref<10240x128xf32, #tpu.memory_space<vmem_shared>> -> memref<10240x128xf32, #tpu.memory_space<vmem_shared>>
        tpu.wait_indirect_dma semaphore(%run_scoped3A : memref<!tpu.dma_semaphore, #tpu.memory_space<semaphore_mem>>) src(%arg9 : memref<128x128xf32, #tpu.memory_space<vmem>>) dst(%dma_wait3A_58 : memref<10240x128xf32, #tpu.memory_space<vmem_shared>>)
        tpu.yield
      }) : () -> ()
      %scan3A_48 = arith.constant 0 : i32
      scf.yield %scan3A_48 : i32
    }
    %scan3A_37 = arith.constant 80 : i32
    %barrier3A_38 = arith.constant 0 : index
    tpu.barrier barrier_id(%barrier3A_38)
    %mul3A_39 = arith.constant 640 : i32
    %mul3A_40 = arith.muli %arg1, %mul3A_39 : i32
    %mul3A_41 = arith.constant 10240 : i32
    %mul3A_42 = arith.muli %add3A_24, %mul3A_41 : i32
    %mul3A_43 = arith.constant 640 : i32
    %mul3A_44 = arith.muli %arg1, %mul3A_43 : i32
    %add3A_45 = arith.addi %mul3A_42, %mul3A_44 : i32
    "tpu.region"() ({
      %run_scoped3A = tpu.sem_alloc : memref<!tpu.dma_semaphore, #tpu.memory_space<semaphore_mem>>
      %dma_start3A = arith.constant 0 : i32
      %dma_start3A_46 = tpu.memref_slice %arg6[%add3A_45, %dma_start3A] : memref<40960x128xf32, #tpu.memory_space<hbm>> -> memref<640x128xf32, #tpu.memory_space<hbm>>
      %dma_start3A_47 = arith.constant 0 : i32
      %dma_start3A_48 = tpu.memref_slice %arg10[%mul3A_40, %dma_start3A_47] : memref<10240x128xf32, #tpu.memory_space<vmem_shared>> -> memref<640x128xf32, #tpu.memory_space<vmem_shared>>
      tpu.enqueue_dma source(%dma_start3A_48 : memref<640x128xf32, #tpu.memory_space<vmem_shared>>) target(%dma_start3A_46 : memref<640x128xf32, #tpu.memory_space<hbm>>) target_semaphore(%run_scoped3A : memref<!tpu.dma_semaphore, #tpu.memory_space<semaphore_mem>>)
      %dma_wait3A = arith.constant 0 : i32
      %dma_wait3A_49 = tpu.memref_slice %arg6[%add3A_45, %dma_wait3A] : memref<40960x128xf32, #tpu.memory_space<hbm>> -> memref<640x128xf32, #tpu.memory_space<hbm>>
      %dma_wait3A_50 = arith.constant 0 : i32
      %dma_wait3A_51 = tpu.memref_slice %arg10[%mul3A_40, %dma_wait3A_50] : memref<10240x128xf32, #tpu.memory_space<vmem_shared>> -> memref<640x128xf32, #tpu.memory_space<vmem_shared>>
      tpu.wait_dma2 semaphore(%run_scoped3A : memref<!tpu.dma_semaphore, #tpu.memory_space<semaphore_mem>>) src(%dma_wait3A_51 : memref<640x128xf32, #tpu.memory_space<vmem_shared>>) dst(%dma_wait3A_49 : memref<640x128xf32, #tpu.memory_space<hbm>>)
      tpu.yield
    }) : () -> ()
    return
  }
}

#map = affine_map<(d0, d1) -> (0, 0, 0)>
#map1 = affine_map<(d0, d1) -> (0, 0)>
module attributes {stable_mosaic.version = 14 : i64} {
  func.func @body(%arg0: i32, %arg1: i32, %arg2: memref<32x40x128xi32, #tpu.memory_space<hbm>>, %arg3: memref<128x128xf32, #tpu.memory_space<hbm>>, %arg4: memref<640x128xf32, #tpu.memory_space<hbm>>, %arg5: memref<20480x128xf32, #tpu.memory_space<hbm>>, %arg6: memref<40x128xi32, #tpu.memory_space<vmem>>, %arg7: memref<128x128xf32, #tpu.memory_space<vmem>>, %arg8: memref<10240x128xf32, #tpu.memory_space<vmem_shared>>) attributes {dimension_semantics = [#tpu.dimension_semantics<core_parallel>, #tpu.dimension_semantics<subcore_parallel>], iteration_bounds = array<i64: 2, 16>, scalar_prefetch = 0 : i64, scratch_operands = 3 : i64, tpu.core_type = #tpu.core_type<sc_vector_subcore>, window_params = [{transform_indices = #map}, {transform_indices = #map1}, {transform_indices = #map1}, {transform_indices = #map1}]} {
    %mul3A = arith.constant 16 : i32
    %mul3A_0 = arith.muli %arg0, %mul3A : i32
    %add3A = arith.addi %mul3A_0, %arg1 : i32
    "tpu.region"() ({
      %run_scoped3A = tpu.sem_alloc : memref<!tpu.dma_semaphore, #tpu.memory_space<semaphore_mem>>
      %dma_start3A = arith.constant 0 : i32
      %dma_start3A_17 = arith.constant 0 : i32
      %dma_start3A_18 = tpu.memref_slice %arg2[%add3A, %dma_start3A, %dma_start3A_17] : memref<32x40x128xi32, #tpu.memory_space<hbm>> -> memref<1x40x128xi32, #tpu.memory_space<hbm>>
      %dma_start3A_19 = tpu.memref_squeeze %dma_start3A_18 : memref<1x40x128xi32, #tpu.memory_space<hbm>> -> memref<40x128xi32, #tpu.memory_space<hbm>>
      %dma_start3A_20 = arith.constant 0 : i32
      %dma_start3A_21 = arith.constant 0 : i32
      %dma_start3A_22 = tpu.memref_slice %arg2[%add3A, %dma_start3A_20, %dma_start3A_21] : memref<32x40x128xi32, #tpu.memory_space<hbm>> -> memref<1x40x128xi32, #tpu.memory_space<hbm>>
      %dma_start3A_23 = tpu.memref_squeeze %dma_start3A_22 : memref<1x40x128xi32, #tpu.memory_space<hbm>> -> memref<40x128xi32, #tpu.memory_space<hbm>>
      tpu.enqueue_dma source(%dma_start3A_23 : memref<40x128xi32, #tpu.memory_space<hbm>>) target(%arg6 : memref<40x128xi32, #tpu.memory_space<vmem>>) target_semaphore(%run_scoped3A : memref<!tpu.dma_semaphore, #tpu.memory_space<semaphore_mem>>)
      %dma_wait3A = arith.constant 0 : i32
      %dma_wait3A_24 = arith.constant 0 : i32
      %dma_wait3A_25 = tpu.memref_slice %arg2[%add3A, %dma_wait3A, %dma_wait3A_24] : memref<32x40x128xi32, #tpu.memory_space<hbm>> -> memref<1x40x128xi32, #tpu.memory_space<hbm>>
      %dma_wait3A_26 = tpu.memref_squeeze %dma_wait3A_25 : memref<1x40x128xi32, #tpu.memory_space<hbm>> -> memref<40x128xi32, #tpu.memory_space<hbm>>
      %dma_wait3A_27 = arith.constant 0 : i32
      %dma_wait3A_28 = arith.constant 0 : i32
      %dma_wait3A_29 = tpu.memref_slice %arg2[%add3A, %dma_wait3A_27, %dma_wait3A_28] : memref<32x40x128xi32, #tpu.memory_space<hbm>> -> memref<1x40x128xi32, #tpu.memory_space<hbm>>
      %dma_wait3A_30 = tpu.memref_squeeze %dma_wait3A_29 : memref<1x40x128xi32, #tpu.memory_space<hbm>> -> memref<40x128xi32, #tpu.memory_space<hbm>>
      tpu.wait_dma2 semaphore(%run_scoped3A : memref<!tpu.dma_semaphore, #tpu.memory_space<semaphore_mem>>) src(%dma_wait3A_30 : memref<40x128xi32, #tpu.memory_space<hbm>>) dst(%arg6 : memref<40x128xi32, #tpu.memory_space<vmem>>)
      tpu.yield
    }) : () -> ()
    "tpu.region"() ({
      %run_scoped3A = tpu.sem_alloc : memref<!tpu.dma_semaphore, #tpu.memory_space<semaphore_mem>>
      tpu.enqueue_dma source(%arg3 : memref<128x128xf32, #tpu.memory_space<hbm>>) target(%arg7 : memref<128x128xf32, #tpu.memory_space<vmem>>) target_semaphore(%run_scoped3A : memref<!tpu.dma_semaphore, #tpu.memory_space<semaphore_mem>>)
      tpu.wait_dma2 semaphore(%run_scoped3A : memref<!tpu.dma_semaphore, #tpu.memory_space<semaphore_mem>>) src(%arg3 : memref<128x128xf32, #tpu.memory_space<hbm>>) dst(%arg7 : memref<128x128xf32, #tpu.memory_space<vmem>>)
      tpu.yield
    }) : () -> ()
    %mul3A_1 = arith.constant 640 : i32
    %mul3A_2 = arith.muli %arg1, %mul3A_1 : i32
    "tpu.region"() ({
      %run_scoped3A = tpu.sem_alloc : memref<!tpu.dma_semaphore, #tpu.memory_space<semaphore_mem>>
      %dma_start3A = arith.constant 0 : i32
      %dma_start3A_17 = tpu.memref_slice %arg8[%mul3A_2, %dma_start3A] : memref<10240x128xf32, #tpu.memory_space<vmem_shared>> -> memref<640x128xf32, #tpu.memory_space<vmem_shared>>
      tpu.enqueue_dma source(%arg4 : memref<640x128xf32, #tpu.memory_space<hbm>>) target(%dma_start3A_17 : memref<640x128xf32, #tpu.memory_space<vmem_shared>>) target_semaphore(%run_scoped3A : memref<!tpu.dma_semaphore, #tpu.memory_space<semaphore_mem>>)
      %dma_wait3A = arith.constant 0 : i32
      %dma_wait3A_18 = tpu.memref_slice %arg8[%mul3A_2, %dma_wait3A] : memref<10240x128xf32, #tpu.memory_space<vmem_shared>> -> memref<640x128xf32, #tpu.memory_space<vmem_shared>>
      tpu.wait_dma2 semaphore(%run_scoped3A : memref<!tpu.dma_semaphore, #tpu.memory_space<semaphore_mem>>) src(%arg4 : memref<640x128xf32, #tpu.memory_space<hbm>>) dst(%dma_wait3A_18 : memref<640x128xf32, #tpu.memory_space<vmem_shared>>)
      tpu.yield
    }) : () -> ()
    %barrier3A = arith.constant 0 : index
    tpu.barrier barrier_id(%barrier3A)
    %scan3A = arith.constant 0 : i32
    %scan3A_3 = arith.constant 0 : i32
    %scan3A_4 = arith.constant 40 : i32
    %scan3A_5 = arith.addi %scan3A_3, %scan3A_4 : i32
    %scan3A_6 = arith.constant 1 : i32
    %scan3A_7 = scf.for %scan3A_17 = %scan3A_3 to %scan3A_5 step %scan3A_6 iter_args(%scan3A_18 = %scan3A) -> (i32)  : i32 {
      "tpu.region"() ({
        %run_scoped3A = tpu.sem_alloc : memref<!tpu.dma_semaphore, #tpu.memory_space<semaphore_mem>>
        %dma_start3A = arith.constant 0 : i32
        %dma_start3A_20 = tpu.memref_slice %arg6[%scan3A_17, %dma_start3A] : memref<40x128xi32, #tpu.memory_space<vmem>> -> memref<1x128xi32, #tpu.memory_space<vmem>>
        %dma_start3A_21 = tpu.memref_squeeze %dma_start3A_20 : memref<1x128xi32, #tpu.memory_space<vmem>> -> memref<128xi32, #tpu.memory_space<vmem>>
        %dma_start3A_22 = arith.constant 0 : i32
        %dma_start3A_23 = arith.constant 0 : i32
        %dma_start3A_24 = tpu.memref_slice %arg8[%dma_start3A_22, %dma_start3A_23] : memref<10240x128xf32, #tpu.memory_space<vmem_shared>> -> memref<10240x128xf32, #tpu.memory_space<vmem_shared>>
        tpu.enqueue_indirect_dma source(%arg7 : memref<128x128xf32, #tpu.memory_space<vmem>>) target(%dma_start3A_24 : memref<10240x128xf32, #tpu.memory_space<vmem_shared>>) offsets(%dma_start3A_21 : memref<128xi32, #tpu.memory_space<vmem>>) semaphore(%run_scoped3A : memref<!tpu.dma_semaphore, #tpu.memory_space<semaphore_mem>>) {add = true}
        %dma_wait3A = arith.constant 0 : i32
        %dma_wait3A_25 = tpu.memref_slice %arg6[%scan3A_17, %dma_wait3A] : memref<40x128xi32, #tpu.memory_space<vmem>> -> memref<1x128xi32, #tpu.memory_space<vmem>>
        %dma_wait3A_26 = tpu.memref_squeeze %dma_wait3A_25 : memref<1x128xi32, #tpu.memory_space<vmem>> -> memref<128xi32, #tpu.memory_space<vmem>>
        %dma_wait3A_27 = arith.constant 0 : i32
        %dma_wait3A_28 = arith.constant 0 : i32
        %dma_wait3A_29 = tpu.memref_slice %arg8[%dma_wait3A_27, %dma_wait3A_28] : memref<10240x128xf32, #tpu.memory_space<vmem_shared>> -> memref<10240x128xf32, #tpu.memory_space<vmem_shared>>
        tpu.wait_indirect_dma semaphore(%run_scoped3A : memref<!tpu.dma_semaphore, #tpu.memory_space<semaphore_mem>>) src(%arg7 : memref<128x128xf32, #tpu.memory_space<vmem>>) dst(%dma_wait3A_29 : memref<10240x128xf32, #tpu.memory_space<vmem_shared>>)
        tpu.yield
      }) : () -> ()
      %scan3A_19 = arith.constant 0 : i32
      scf.yield %scan3A_19 : i32
    }
    %scan3A_8 = arith.constant 40 : i32
    %barrier3A_9 = arith.constant 0 : index
    tpu.barrier barrier_id(%barrier3A_9)
    %mul3A_10 = arith.constant 640 : i32
    %mul3A_11 = arith.muli %arg1, %mul3A_10 : i32
    %mul3A_12 = arith.constant 10240 : i32
    %mul3A_13 = arith.muli %arg0, %mul3A_12 : i32
    %mul3A_14 = arith.constant 640 : i32
    %mul3A_15 = arith.muli %arg1, %mul3A_14 : i32
    %add3A_16 = arith.addi %mul3A_13, %mul3A_15 : i32
    "tpu.region"() ({
      %run_scoped3A = tpu.sem_alloc : memref<!tpu.dma_semaphore, #tpu.memory_space<semaphore_mem>>
      %dma_start3A = arith.constant 0 : i32
      %dma_start3A_17 = tpu.memref_slice %arg5[%add3A_16, %dma_start3A] : memref<20480x128xf32, #tpu.memory_space<hbm>> -> memref<640x128xf32, #tpu.memory_space<hbm>>
      %dma_start3A_18 = arith.constant 0 : i32
      %dma_start3A_19 = tpu.memref_slice %arg8[%mul3A_11, %dma_start3A_18] : memref<10240x128xf32, #tpu.memory_space<vmem_shared>> -> memref<640x128xf32, #tpu.memory_space<vmem_shared>>
      tpu.enqueue_dma source(%dma_start3A_19 : memref<640x128xf32, #tpu.memory_space<vmem_shared>>) target(%dma_start3A_17 : memref<640x128xf32, #tpu.memory_space<hbm>>) target_semaphore(%run_scoped3A : memref<!tpu.dma_semaphore, #tpu.memory_space<semaphore_mem>>)
      %dma_wait3A = arith.constant 0 : i32
      %dma_wait3A_20 = tpu.memref_slice %arg5[%add3A_16, %dma_wait3A] : memref<20480x128xf32, #tpu.memory_space<hbm>> -> memref<640x128xf32, #tpu.memory_space<hbm>>
      %dma_wait3A_21 = arith.constant 0 : i32
      %dma_wait3A_22 = tpu.memref_slice %arg8[%mul3A_11, %dma_wait3A_21] : memref<10240x128xf32, #tpu.memory_space<vmem_shared>> -> memref<640x128xf32, #tpu.memory_space<vmem_shared>>
      tpu.wait_dma2 semaphore(%run_scoped3A : memref<!tpu.dma_semaphore, #tpu.memory_space<semaphore_mem>>) src(%dma_wait3A_22 : memref<640x128xf32, #tpu.memory_space<vmem_shared>>) dst(%dma_wait3A_20 : memref<640x128xf32, #tpu.memory_space<hbm>>)
      tpu.yield
    }) : () -> ()
    return
  }
}

#map = affine_map<(d0, d1) -> (0, 0)>
#map1 = affine_map<(d0, d1) -> (0, 0, 0)>
module attributes {stable_mosaic.version = 14 : i64} {
  func.func @body(%arg0: i32, %arg1: i32, %arg2: memref<40960x128xf32, #tpu.memory_space<hbm>>, %arg3: memref<64x80x128xi32, #tpu.memory_space<hbm>>, %arg4: memref<16x80x128xi32, #tpu.memory_space<hbm>>, %arg5: memref<640x128xf32, #tpu.memory_space<hbm>>, %arg6: memref<40960x128xf32, #tpu.memory_space<hbm>>, %arg7: memref<80x128xi32, #tpu.memory_space<vmem>>, %arg8: memref<80x128xi32, #tpu.memory_space<vmem>>, %arg9: memref<128x128xf32, #tpu.memory_space<vmem>>, %arg10: memref<10240x128xf32, #tpu.memory_space<vmem_shared>>) attributes {dimension_semantics = [#tpu.dimension_semantics<core_parallel>, #tpu.dimension_semantics<subcore_parallel>], iteration_bounds = array<i64: 2, 16>, scalar_prefetch = 0 : i64, scratch_operands = 4 : i64, tpu.core_type = #tpu.core_type<sc_vector_subcore>, window_params = [{transform_indices = #map}, {transform_indices = #map1}, {transform_indices = #map1}, {transform_indices = #map}, {transform_indices = #map}]} {
    "tpu.region"() ({
      %run_scoped3A = tpu.sem_alloc : memref<!tpu.dma_semaphore, #tpu.memory_space<semaphore_mem>>
      %dma_start3A = arith.constant 0 : i32
      %dma_start3A_46 = arith.constant 0 : i32
      %dma_start3A_47 = tpu.memref_slice %arg4[%arg1, %dma_start3A, %dma_start3A_46] : memref<16x80x128xi32, #tpu.memory_space<hbm>> -> memref<1x80x128xi32, #tpu.memory_space<hbm>>
      %dma_start3A_48 = tpu.memref_squeeze %dma_start3A_47 : memref<1x80x128xi32, #tpu.memory_space<hbm>> -> memref<80x128xi32, #tpu.memory_space<hbm>>
      %dma_start3A_49 = arith.constant 0 : i32
      %dma_start3A_50 = arith.constant 0 : i32
      %dma_start3A_51 = tpu.memref_slice %arg4[%arg1, %dma_start3A_49, %dma_start3A_50] : memref<16x80x128xi32, #tpu.memory_space<hbm>> -> memref<1x80x128xi32, #tpu.memory_space<hbm>>
      %dma_start3A_52 = tpu.memref_squeeze %dma_start3A_51 : memref<1x80x128xi32, #tpu.memory_space<hbm>> -> memref<80x128xi32, #tpu.memory_space<hbm>>
      tpu.enqueue_dma source(%dma_start3A_52 : memref<80x128xi32, #tpu.memory_space<hbm>>) target(%arg8 : memref<80x128xi32, #tpu.memory_space<vmem>>) target_semaphore(%run_scoped3A : memref<!tpu.dma_semaphore, #tpu.memory_space<semaphore_mem>>)
      %dma_wait3A = arith.constant 0 : i32
      %dma_wait3A_53 = arith.constant 0 : i32
      %dma_wait3A_54 = tpu.memref_slice %arg4[%arg1, %dma_wait3A, %dma_wait3A_53] : memref<16x80x128xi32, #tpu.memory_space<hbm>> -> memref<1x80x128xi32, #tpu.memory_space<hbm>>
      %dma_wait3A_55 = tpu.memref_squeeze %dma_wait3A_54 : memref<1x80x128xi32, #tpu.memory_space<hbm>> -> memref<80x128xi32, #tpu.memory_space<hbm>>
      %dma_wait3A_56 = arith.constant 0 : i32
      %dma_wait3A_57 = arith.constant 0 : i32
      %dma_wait3A_58 = tpu.memref_slice %arg4[%arg1, %dma_wait3A_56, %dma_wait3A_57] : memref<16x80x128xi32, #tpu.memory_space<hbm>> -> memref<1x80x128xi32, #tpu.memory_space<hbm>>
      %dma_wait3A_59 = tpu.memref_squeeze %dma_wait3A_58 : memref<1x80x128xi32, #tpu.memory_space<hbm>> -> memref<80x128xi32, #tpu.memory_space<hbm>>
      tpu.wait_dma2 semaphore(%run_scoped3A : memref<!tpu.dma_semaphore, #tpu.memory_space<semaphore_mem>>) src(%dma_wait3A_59 : memref<80x128xi32, #tpu.memory_space<hbm>>) dst(%arg8 : memref<80x128xi32, #tpu.memory_space<vmem>>)
      tpu.yield
    }) : () -> ()
    %mul3A = arith.constant 2 : i32
    %mul3A_0 = arith.muli %arg0, %mul3A : i32
    %add3A = arith.constant 0 : i32
    %add3A_1 = arith.addi %mul3A_0, %add3A : i32
    %mul3A_2 = arith.constant 16 : i32
    %mul3A_3 = arith.muli %add3A_1, %mul3A_2 : i32
    %add3A_4 = arith.addi %mul3A_3, %arg1 : i32
    "tpu.region"() ({
      %run_scoped3A = tpu.sem_alloc : memref<!tpu.dma_semaphore, #tpu.memory_space<semaphore_mem>>
      %dma_start3A = arith.constant 0 : i32
      %dma_start3A_46 = arith.constant 0 : i32
      %dma_start3A_47 = tpu.memref_slice %arg3[%add3A_4, %dma_start3A, %dma_start3A_46] : memref<64x80x128xi32, #tpu.memory_space<hbm>> -> memref<1x80x128xi32, #tpu.memory_space<hbm>>
      %dma_start3A_48 = tpu.memref_squeeze %dma_start3A_47 : memref<1x80x128xi32, #tpu.memory_space<hbm>> -> memref<80x128xi32, #tpu.memory_space<hbm>>
      %dma_start3A_49 = arith.constant 0 : i32
      %dma_start3A_50 = arith.constant 0 : i32
      %dma_start3A_51 = tpu.memref_slice %arg3[%add3A_4, %dma_start3A_49, %dma_start3A_50] : memref<64x80x128xi32, #tpu.memory_space<hbm>> -> memref<1x80x128xi32, #tpu.memory_space<hbm>>
      %dma_start3A_52 = tpu.memref_squeeze %dma_start3A_51 : memref<1x80x128xi32, #tpu.memory_space<hbm>> -> memref<80x128xi32, #tpu.memory_space<hbm>>
      tpu.enqueue_dma source(%dma_start3A_52 : memref<80x128xi32, #tpu.memory_space<hbm>>) target(%arg7 : memref<80x128xi32, #tpu.memory_space<vmem>>) target_semaphore(%run_scoped3A : memref<!tpu.dma_semaphore, #tpu.memory_space<semaphore_mem>>)
      %dma_wait3A = arith.constant 0 : i32
      %dma_wait3A_53 = arith.constant 0 : i32
      %dma_wait3A_54 = tpu.memref_slice %arg3[%add3A_4, %dma_wait3A, %dma_wait3A_53] : memref<64x80x128xi32, #tpu.memory_space<hbm>> -> memref<1x80x128xi32, #tpu.memory_space<hbm>>
      %dma_wait3A_55 = tpu.memref_squeeze %dma_wait3A_54 : memref<1x80x128xi32, #tpu.memory_space<hbm>> -> memref<80x128xi32, #tpu.memory_space<hbm>>
      %dma_wait3A_56 = arith.constant 0 : i32
      %dma_wait3A_57 = arith.constant 0 : i32
      %dma_wait3A_58 = tpu.memref_slice %arg3[%add3A_4, %dma_wait3A_56, %dma_wait3A_57] : memref<64x80x128xi32, #tpu.memory_space<hbm>> -> memref<1x80x128xi32, #tpu.memory_space<hbm>>
      %dma_wait3A_59 = tpu.memref_squeeze %dma_wait3A_58 : memref<1x80x128xi32, #tpu.memory_space<hbm>> -> memref<80x128xi32, #tpu.memory_space<hbm>>
      tpu.wait_dma2 semaphore(%run_scoped3A : memref<!tpu.dma_semaphore, #tpu.memory_space<semaphore_mem>>) src(%dma_wait3A_59 : memref<80x128xi32, #tpu.memory_space<hbm>>) dst(%arg7 : memref<80x128xi32, #tpu.memory_space<vmem>>)
      tpu.yield
    }) : () -> ()
    %mul3A_5 = arith.constant 640 : i32
    %mul3A_6 = arith.muli %arg1, %mul3A_5 : i32
    "tpu.region"() ({
      %run_scoped3A = tpu.sem_alloc : memref<!tpu.dma_semaphore, #tpu.memory_space<semaphore_mem>>
      %dma_start3A = arith.constant 0 : i32
      %dma_start3A_46 = tpu.memref_slice %arg10[%mul3A_6, %dma_start3A] : memref<10240x128xf32, #tpu.memory_space<vmem_shared>> -> memref<640x128xf32, #tpu.memory_space<vmem_shared>>
      tpu.enqueue_dma source(%arg5 : memref<640x128xf32, #tpu.memory_space<hbm>>) target(%dma_start3A_46 : memref<640x128xf32, #tpu.memory_space<vmem_shared>>) target_semaphore(%run_scoped3A : memref<!tpu.dma_semaphore, #tpu.memory_space<semaphore_mem>>)
      %dma_wait3A = arith.constant 0 : i32
      %dma_wait3A_47 = tpu.memref_slice %arg10[%mul3A_6, %dma_wait3A] : memref<10240x128xf32, #tpu.memory_space<vmem_shared>> -> memref<640x128xf32, #tpu.memory_space<vmem_shared>>
      tpu.wait_dma2 semaphore(%run_scoped3A : memref<!tpu.dma_semaphore, #tpu.memory_space<semaphore_mem>>) src(%arg5 : memref<640x128xf32, #tpu.memory_space<hbm>>) dst(%dma_wait3A_47 : memref<640x128xf32, #tpu.memory_space<vmem_shared>>)
      tpu.yield
    }) : () -> ()
    %barrier3A = arith.constant 0 : index
    tpu.barrier barrier_id(%barrier3A)
    %scan3A = arith.constant 0 : i32
    %scan3A_7 = arith.constant 0 : i32
    %scan3A_8 = arith.constant 80 : i32
    %scan3A_9 = arith.addi %scan3A_7, %scan3A_8 : i32
    %scan3A_10 = arith.constant 1 : i32
    %scan3A_11 = scf.for %scan3A_46 = %scan3A_7 to %scan3A_9 step %scan3A_10 iter_args(%scan3A_47 = %scan3A) -> (i32)  : i32 {
      "tpu.region"() ({
        %run_scoped3A = tpu.sem_alloc : memref<!tpu.dma_semaphore, #tpu.memory_space<semaphore_mem>>
        %dma_start3A = arith.constant 0 : i32
        %dma_start3A_49 = tpu.memref_slice %arg7[%scan3A_46, %dma_start3A] : memref<80x128xi32, #tpu.memory_space<vmem>> -> memref<1x128xi32, #tpu.memory_space<vmem>>
        %dma_start3A_50 = tpu.memref_squeeze %dma_start3A_49 : memref<1x128xi32, #tpu.memory_space<vmem>> -> memref<128xi32, #tpu.memory_space<vmem>>
        %dma_start3A_51 = arith.constant 0 : i32
        %dma_start3A_52 = arith.constant 0 : i32
        %dma_start3A_53 = tpu.memref_slice %arg2[%dma_start3A_51, %dma_start3A_52] : memref<40960x128xf32, #tpu.memory_space<hbm>> -> memref<40960x128xf32, #tpu.memory_space<hbm>>
        tpu.enqueue_indirect_dma source(%dma_start3A_53 : memref<40960x128xf32, #tpu.memory_space<hbm>>) target(%arg9 : memref<128x128xf32, #tpu.memory_space<vmem>>) offsets(%dma_start3A_50 : memref<128xi32, #tpu.memory_space<vmem>>) semaphore(%run_scoped3A : memref<!tpu.dma_semaphore, #tpu.memory_space<semaphore_mem>>)
        %dma_wait3A = arith.constant 0 : i32
        %dma_wait3A_54 = tpu.memref_slice %arg7[%scan3A_46, %dma_wait3A] : memref<80x128xi32, #tpu.memory_space<vmem>> -> memref<1x128xi32, #tpu.memory_space<vmem>>
        %dma_wait3A_55 = tpu.memref_squeeze %dma_wait3A_54 : memref<1x128xi32, #tpu.memory_space<vmem>> -> memref<128xi32, #tpu.memory_space<vmem>>
        %dma_wait3A_56 = arith.constant 0 : i32
        %dma_wait3A_57 = arith.constant 0 : i32
        %dma_wait3A_58 = tpu.memref_slice %arg2[%dma_wait3A_56, %dma_wait3A_57] : memref<40960x128xf32, #tpu.memory_space<hbm>> -> memref<40960x128xf32, #tpu.memory_space<hbm>>
        tpu.wait_indirect_dma semaphore(%run_scoped3A : memref<!tpu.dma_semaphore, #tpu.memory_space<semaphore_mem>>) src(%dma_wait3A_58 : memref<40960x128xf32, #tpu.memory_space<hbm>>) dst(%arg9 : memref<128x128xf32, #tpu.memory_space<vmem>>)
        tpu.yield
      }) : () -> ()
      "tpu.region"() ({
        %run_scoped3A = tpu.sem_alloc : memref<!tpu.dma_semaphore, #tpu.memory_space<semaphore_mem>>
        %dma_start3A = arith.constant 0 : i32
        %dma_start3A_49 = tpu.memref_slice %arg8[%scan3A_46, %dma_start3A] : memref<80x128xi32, #tpu.memory_space<vmem>> -> memref<1x128xi32, #tpu.memory_space<vmem>>
        %dma_start3A_50 = tpu.memref_squeeze %dma_start3A_49 : memref<1x128xi32, #tpu.memory_space<vmem>> -> memref<128xi32, #tpu.memory_space<vmem>>
        %dma_start3A_51 = arith.constant 0 : i32
        %dma_start3A_52 = arith.constant 0 : i32
        %dma_start3A_53 = tpu.memref_slice %arg10[%dma_start3A_51, %dma_start3A_52] : memref<10240x128xf32, #tpu.memory_space<vmem_shared>> -> memref<10240x128xf32, #tpu.memory_space<vmem_shared>>
        tpu.enqueue_indirect_dma source(%arg9 : memref<128x128xf32, #tpu.memory_space<vmem>>) target(%dma_start3A_53 : memref<10240x128xf32, #tpu.memory_space<vmem_shared>>) offsets(%dma_start3A_50 : memref<128xi32, #tpu.memory_space<vmem>>) semaphore(%run_scoped3A : memref<!tpu.dma_semaphore, #tpu.memory_space<semaphore_mem>>) {add = true}
        %dma_wait3A = arith.constant 0 : i32
        %dma_wait3A_54 = tpu.memref_slice %arg8[%scan3A_46, %dma_wait3A] : memref<80x128xi32, #tpu.memory_space<vmem>> -> memref<1x128xi32, #tpu.memory_space<vmem>>
        %dma_wait3A_55 = tpu.memref_squeeze %dma_wait3A_54 : memref<1x128xi32, #tpu.memory_space<vmem>> -> memref<128xi32, #tpu.memory_space<vmem>>
        %dma_wait3A_56 = arith.constant 0 : i32
        %dma_wait3A_57 = arith.constant 0 : i32
        %dma_wait3A_58 = tpu.memref_slice %arg10[%dma_wait3A_56, %dma_wait3A_57] : memref<10240x128xf32, #tpu.memory_space<vmem_shared>> -> memref<10240x128xf32, #tpu.memory_space<vmem_shared>>
        tpu.wait_indirect_dma semaphore(%run_scoped3A : memref<!tpu.dma_semaphore, #tpu.memory_space<semaphore_mem>>) src(%arg9 : memref<128x128xf32, #tpu.memory_space<vmem>>) dst(%dma_wait3A_58 : memref<10240x128xf32, #tpu.memory_space<vmem_shared>>)
        tpu.yield
      }) : () -> ()
      %scan3A_48 = arith.constant 0 : i32
      scf.yield %scan3A_48 : i32
    }
    %scan3A_12 = arith.constant 80 : i32
    %barrier3A_13 = arith.constant 0 : index
    tpu.barrier barrier_id(%barrier3A_13)
    %mul3A_14 = arith.constant 640 : i32
    %mul3A_15 = arith.muli %arg1, %mul3A_14 : i32
    %mul3A_16 = arith.constant 10240 : i32
    %mul3A_17 = arith.muli %add3A_1, %mul3A_16 : i32
    %mul3A_18 = arith.constant 640 : i32
    %mul3A_19 = arith.muli %arg1, %mul3A_18 : i32
    %add3A_20 = arith.addi %mul3A_17, %mul3A_19 : i32
    "tpu.region"() ({
      %run_scoped3A = tpu.sem_alloc : memref<!tpu.dma_semaphore, #tpu.memory_space<semaphore_mem>>
      %dma_start3A = arith.constant 0 : i32
      %dma_start3A_46 = tpu.memref_slice %arg6[%add3A_20, %dma_start3A] : memref<40960x128xf32, #tpu.memory_space<hbm>> -> memref<640x128xf32, #tpu.memory_space<hbm>>
      %dma_start3A_47 = arith.constant 0 : i32
      %dma_start3A_48 = tpu.memref_slice %arg10[%mul3A_15, %dma_start3A_47] : memref<10240x128xf32, #tpu.memory_space<vmem_shared>> -> memref<640x128xf32, #tpu.memory_space<vmem_shared>>
      tpu.enqueue_dma source(%dma_start3A_48 : memref<640x128xf32, #tpu.memory_space<vmem_shared>>) target(%dma_start3A_46 : memref<640x128xf32, #tpu.memory_space<hbm>>) target_semaphore(%run_scoped3A : memref<!tpu.dma_semaphore, #tpu.memory_space<semaphore_mem>>)
      %dma_wait3A = arith.constant 0 : i32
      %dma_wait3A_49 = tpu.memref_slice %arg6[%add3A_20, %dma_wait3A] : memref<40960x128xf32, #tpu.memory_space<hbm>> -> memref<640x128xf32, #tpu.memory_space<hbm>>
      %dma_wait3A_50 = arith.constant 0 : i32
      %dma_wait3A_51 = tpu.memref_slice %arg10[%mul3A_15, %dma_wait3A_50] : memref<10240x128xf32, #tpu.memory_space<vmem_shared>> -> memref<640x128xf32, #tpu.memory_space<vmem_shared>>
      tpu.wait_dma2 semaphore(%run_scoped3A : memref<!tpu.dma_semaphore, #tpu.memory_space<semaphore_mem>>) src(%dma_wait3A_51 : memref<640x128xf32, #tpu.memory_space<vmem_shared>>) dst(%dma_wait3A_49 : memref<640x128xf32, #tpu.memory_space<hbm>>)
      tpu.yield
    }) : () -> ()
    %mul3A_21 = arith.constant 2 : i32
    %mul3A_22 = arith.muli %arg0, %mul3A_21 : i32
    %add3A_23 = arith.constant 1 : i32
    %add3A_24 = arith.addi %mul3A_22, %add3A_23 : i32
    %mul3A_25 = arith.constant 16 : i32
    %mul3A_26 = arith.muli %add3A_24, %mul3A_25 : i32
    %add3A_27 = arith.addi %mul3A_26, %arg1 : i32
    "tpu.region"() ({
      %run_scoped3A = tpu.sem_alloc : memref<!tpu.dma_semaphore, #tpu.memory_space<semaphore_mem>>
      %dma_start3A = arith.constant 0 : i32
      %dma_start3A_46 = arith.constant 0 : i32
      %dma_start3A_47 = tpu.memref_slice %arg3[%add3A_27, %dma_start3A, %dma_start3A_46] : memref<64x80x128xi32, #tpu.memory_space<hbm>> -> memref<1x80x128xi32, #tpu.memory_space<hbm>>
      %dma_start3A_48 = tpu.memref_squeeze %dma_start3A_47 : memref<1x80x128xi32, #tpu.memory_space<hbm>> -> memref<80x128xi32, #tpu.memory_space<hbm>>
      %dma_start3A_49 = arith.constant 0 : i32
      %dma_start3A_50 = arith.constant 0 : i32
      %dma_start3A_51 = tpu.memref_slice %arg3[%add3A_27, %dma_start3A_49, %dma_start3A_50] : memref<64x80x128xi32, #tpu.memory_space<hbm>> -> memref<1x80x128xi32, #tpu.memory_space<hbm>>
      %dma_start3A_52 = tpu.memref_squeeze %dma_start3A_51 : memref<1x80x128xi32, #tpu.memory_space<hbm>> -> memref<80x128xi32, #tpu.memory_space<hbm>>
      tpu.enqueue_dma source(%dma_start3A_52 : memref<80x128xi32, #tpu.memory_space<hbm>>) target(%arg7 : memref<80x128xi32, #tpu.memory_space<vmem>>) target_semaphore(%run_scoped3A : memref<!tpu.dma_semaphore, #tpu.memory_space<semaphore_mem>>)
      %dma_wait3A = arith.constant 0 : i32
      %dma_wait3A_53 = arith.constant 0 : i32
      %dma_wait3A_54 = tpu.memref_slice %arg3[%add3A_27, %dma_wait3A, %dma_wait3A_53] : memref<64x80x128xi32, #tpu.memory_space<hbm>> -> memref<1x80x128xi32, #tpu.memory_space<hbm>>
      %dma_wait3A_55 = tpu.memref_squeeze %dma_wait3A_54 : memref<1x80x128xi32, #tpu.memory_space<hbm>> -> memref<80x128xi32, #tpu.memory_space<hbm>>
      %dma_wait3A_56 = arith.constant 0 : i32
      %dma_wait3A_57 = arith.constant 0 : i32
      %dma_wait3A_58 = tpu.memref_slice %arg3[%add3A_27, %dma_wait3A_56, %dma_wait3A_57] : memref<64x80x128xi32, #tpu.memory_space<hbm>> -> memref<1x80x128xi32, #tpu.memory_space<hbm>>
      %dma_wait3A_59 = tpu.memref_squeeze %dma_wait3A_58 : memref<1x80x128xi32, #tpu.memory_space<hbm>> -> memref<80x128xi32, #tpu.memory_space<hbm>>
      tpu.wait_dma2 semaphore(%run_scoped3A : memref<!tpu.dma_semaphore, #tpu.memory_space<semaphore_mem>>) src(%dma_wait3A_59 : memref<80x128xi32, #tpu.memory_space<hbm>>) dst(%arg7 : memref<80x128xi32, #tpu.memory_space<vmem>>)
      tpu.yield
    }) : () -> ()
    %mul3A_28 = arith.constant 640 : i32
    %mul3A_29 = arith.muli %arg1, %mul3A_28 : i32
    "tpu.region"() ({
      %run_scoped3A = tpu.sem_alloc : memref<!tpu.dma_semaphore, #tpu.memory_space<semaphore_mem>>
      %dma_start3A = arith.constant 0 : i32
      %dma_start3A_46 = tpu.memref_slice %arg10[%mul3A_29, %dma_start3A] : memref<10240x128xf32, #tpu.memory_space<vmem_shared>> -> memref<640x128xf32, #tpu.memory_space<vmem_shared>>
      tpu.enqueue_dma source(%arg5 : memref<640x128xf32, #tpu.memory_space<hbm>>) target(%dma_start3A_46 : memref<640x128xf32, #tpu.memory_space<vmem_shared>>) target_semaphore(%run_scoped3A : memref<!tpu.dma_semaphore, #tpu.memory_space<semaphore_mem>>)
      %dma_wait3A = arith.constant 0 : i32
      %dma_wait3A_47 = tpu.memref_slice %arg10[%mul3A_29, %dma_wait3A] : memref<10240x128xf32, #tpu.memory_space<vmem_shared>> -> memref<640x128xf32, #tpu.memory_space<vmem_shared>>
      tpu.wait_dma2 semaphore(%run_scoped3A : memref<!tpu.dma_semaphore, #tpu.memory_space<semaphore_mem>>) src(%arg5 : memref<640x128xf32, #tpu.memory_space<hbm>>) dst(%dma_wait3A_47 : memref<640x128xf32, #tpu.memory_space<vmem_shared>>)
      tpu.yield
    }) : () -> ()
    %barrier3A_30 = arith.constant 0 : index
    tpu.barrier barrier_id(%barrier3A_30)
    %scan3A_31 = arith.constant 0 : i32
    %scan3A_32 = arith.constant 0 : i32
    %scan3A_33 = arith.constant 80 : i32
    %scan3A_34 = arith.addi %scan3A_32, %scan3A_33 : i32
    %scan3A_35 = arith.constant 1 : i32
    %scan3A_36 = scf.for %scan3A_46 = %scan3A_32 to %scan3A_34 step %scan3A_35 iter_args(%scan3A_47 = %scan3A_31) -> (i32)  : i32 {
      "tpu.region"() ({
        %run_scoped3A = tpu.sem_alloc : memref<!tpu.dma_semaphore, #tpu.memory_space<semaphore_mem>>
        %dma_start3A = arith.constant 0 : i32
        %dma_start3A_49 = tpu.memref_slice %arg7[%scan3A_46, %dma_start3A] : memref<80x128xi32, #tpu.memory_space<vmem>> -> memref<1x128xi32, #tpu.memory_space<vmem>>
        %dma_start3A_50 = tpu.memref_squeeze %dma_start3A_49 : memref<1x128xi32, #tpu.memory_space<vmem>> -> memref<128xi32, #tpu.memory_space<vmem>>
        %dma_start3A_51 = arith.constant 0 : i32
        %dma_start3A_52 = arith.constant 0 : i32
        %dma_start3A_53 = tpu.memref_slice %arg2[%dma_start3A_51, %dma_start3A_52] : memref<40960x128xf32, #tpu.memory_space<hbm>> -> memref<40960x128xf32, #tpu.memory_space<hbm>>
        tpu.enqueue_indirect_dma source(%dma_start3A_53 : memref<40960x128xf32, #tpu.memory_space<hbm>>) target(%arg9 : memref<128x128xf32, #tpu.memory_space<vmem>>) offsets(%dma_start3A_50 : memref<128xi32, #tpu.memory_space<vmem>>) semaphore(%run_scoped3A : memref<!tpu.dma_semaphore, #tpu.memory_space<semaphore_mem>>)
        %dma_wait3A = arith.constant 0 : i32
        %dma_wait3A_54 = tpu.memref_slice %arg7[%scan3A_46, %dma_wait3A] : memref<80x128xi32, #tpu.memory_space<vmem>> -> memref<1x128xi32, #tpu.memory_space<vmem>>
        %dma_wait3A_55 = tpu.memref_squeeze %dma_wait3A_54 : memref<1x128xi32, #tpu.memory_space<vmem>> -> memref<128xi32, #tpu.memory_space<vmem>>
        %dma_wait3A_56 = arith.constant 0 : i32
        %dma_wait3A_57 = arith.constant 0 : i32
        %dma_wait3A_58 = tpu.memref_slice %arg2[%dma_wait3A_56, %dma_wait3A_57] : memref<40960x128xf32, #tpu.memory_space<hbm>> -> memref<40960x128xf32, #tpu.memory_space<hbm>>
        tpu.wait_indirect_dma semaphore(%run_scoped3A : memref<!tpu.dma_semaphore, #tpu.memory_space<semaphore_mem>>) src(%dma_wait3A_58 : memref<40960x128xf32, #tpu.memory_space<hbm>>) dst(%arg9 : memref<128x128xf32, #tpu.memory_space<vmem>>)
        tpu.yield
      }) : () -> ()
      "tpu.region"() ({
        %run_scoped3A = tpu.sem_alloc : memref<!tpu.dma_semaphore, #tpu.memory_space<semaphore_mem>>
        %dma_start3A = arith.constant 0 : i32
        %dma_start3A_49 = tpu.memref_slice %arg8[%scan3A_46, %dma_start3A] : memref<80x128xi32, #tpu.memory_space<vmem>> -> memref<1x128xi32, #tpu.memory_space<vmem>>
        %dma_start3A_50 = tpu.memref_squeeze %dma_start3A_49 : memref<1x128xi32, #tpu.memory_space<vmem>> -> memref<128xi32, #tpu.memory_space<vmem>>
        %dma_start3A_51 = arith.constant 0 : i32
        %dma_start3A_52 = arith.constant 0 : i32
        %dma_start3A_53 = tpu.memref_slice %arg10[%dma_start3A_51, %dma_start3A_52] : memref<10240x128xf32, #tpu.memory_space<vmem_shared>> -> memref<10240x128xf32, #tpu.memory_space<vmem_shared>>
        tpu.enqueue_indirect_dma source(%arg9 : memref<128x128xf32, #tpu.memory_space<vmem>>) target(%dma_start3A_53 : memref<10240x128xf32, #tpu.memory_space<vmem_shared>>) offsets(%dma_start3A_50 : memref<128xi32, #tpu.memory_space<vmem>>) semaphore(%run_scoped3A : memref<!tpu.dma_semaphore, #tpu.memory_space<semaphore_mem>>) {add = true}
        %dma_wait3A = arith.constant 0 : i32
        %dma_wait3A_54 = tpu.memref_slice %arg8[%scan3A_46, %dma_wait3A] : memref<80x128xi32, #tpu.memory_space<vmem>> -> memref<1x128xi32, #tpu.memory_space<vmem>>
        %dma_wait3A_55 = tpu.memref_squeeze %dma_wait3A_54 : memref<1x128xi32, #tpu.memory_space<vmem>> -> memref<128xi32, #tpu.memory_space<vmem>>
        %dma_wait3A_56 = arith.constant 0 : i32
        %dma_wait3A_57 = arith.constant 0 : i32
        %dma_wait3A_58 = tpu.memref_slice %arg10[%dma_wait3A_56, %dma_wait3A_57] : memref<10240x128xf32, #tpu.memory_space<vmem_shared>> -> memref<10240x128xf32, #tpu.memory_space<vmem_shared>>
        tpu.wait_indirect_dma semaphore(%run_scoped3A : memref<!tpu.dma_semaphore, #tpu.memory_space<semaphore_mem>>) src(%arg9 : memref<128x128xf32, #tpu.memory_space<vmem>>) dst(%dma_wait3A_58 : memref<10240x128xf32, #tpu.memory_space<vmem_shared>>)
        tpu.yield
      }) : () -> ()
      %scan3A_48 = arith.constant 0 : i32
      scf.yield %scan3A_48 : i32
    }
    %scan3A_37 = arith.constant 80 : i32
    %barrier3A_38 = arith.constant 0 : index
    tpu.barrier barrier_id(%barrier3A_38)
    %mul3A_39 = arith.constant 640 : i32
    %mul3A_40 = arith.muli %arg1, %mul3A_39 : i32
    %mul3A_41 = arith.constant 10240 : i32
    %mul3A_42 = arith.muli %add3A_24, %mul3A_41 : i32
    %mul3A_43 = arith.constant 640 : i32
    %mul3A_44 = arith.muli %arg1, %mul3A_43 : i32
    %add3A_45 = arith.addi %mul3A_42, %mul3A_44 : i32
    "tpu.region"() ({
      %run_scoped3A = tpu.sem_alloc : memref<!tpu.dma_semaphore, #tpu.memory_space<semaphore_mem>>
      %dma_start3A = arith.constant 0 : i32
      %dma_start3A_46 = tpu.memref_slice %arg6[%add3A_45, %dma_start3A] : memref<40960x128xf32, #tpu.memory_space<hbm>> -> memref<640x128xf32, #tpu.memory_space<hbm>>
      %dma_start3A_47 = arith.constant 0 : i32
      %dma_start3A_48 = tpu.memref_slice %arg10[%mul3A_40, %dma_start3A_47] : memref<10240x128xf32, #tpu.memory_space<vmem_shared>> -> memref<640x128xf32, #tpu.memory_space<vmem_shared>>
      tpu.enqueue_dma source(%dma_start3A_48 : memref<640x128xf32, #tpu.memory_space<vmem_shared>>) target(%dma_start3A_46 : memref<640x128xf32, #tpu.memory_space<hbm>>) target_semaphore(%run_scoped3A : memref<!tpu.dma_semaphore, #tpu.memory_space<semaphore_mem>>)
      %dma_wait3A = arith.constant 0 : i32
      %dma_wait3A_49 = tpu.memref_slice %arg6[%add3A_45, %dma_wait3A] : memref<40960x128xf32, #tpu.memory_space<hbm>> -> memref<640x128xf32, #tpu.memory_space<hbm>>
      %dma_wait3A_50 = arith.constant 0 : i32
      %dma_wait3A_51 = tpu.memref_slice %arg10[%mul3A_40, %dma_wait3A_50] : memref<10240x128xf32, #tpu.memory_space<vmem_shared>> -> memref<640x128xf32, #tpu.memory_space<vmem_shared>>
      tpu.wait_dma2 semaphore(%run_scoped3A : memref<!tpu.dma_semaphore, #tpu.memory_space<semaphore_mem>>) src(%dma_wait3A_51 : memref<640x128xf32, #tpu.memory_space<vmem_shared>>) dst(%dma_wait3A_49 : memref<640x128xf32, #tpu.memory_space<hbm>>)
      tpu.yield
    }) : () -> ()
    return
  }
}

module attributes {stable_mosaic.version = 14 : i64} {
  func.func @_mm1_body(%arg0: i32, %arg1: memref<1024x256xf32, #tpu.memory_space<vmem>>, %arg2: memref<512x256xf32, #tpu.memory_space<vmem>>, %arg3: memref<1x512xf32, #tpu.memory_space<vmem>>, %arg4: memref<2x1024x128xf32, #tpu.memory_space<vmem>>, %arg5: memref<4x1024x128xf32, #tpu.memory_space<vmem>>) attributes {dimension_semantics = [#tpu.dimension_semantics<arbitrary>], iteration_bounds = array<i64: 10>, scalar_prefetch = 0 : i64, scratch_operands = 0 : i64, tpu.core_type = #tpu.core_type<tc>, window_params = [{transform_indices = @transform_0, window_bounds = array<i64: 1024, 256>}, {pipeline_mode = #tpu.pipeline_mode<synchronous>, transform_indices = @transform_1, window_bounds = array<i64: 512, 256>}, {pipeline_mode = #tpu.pipeline_mode<synchronous>, transform_indices = @transform_2, window_bounds = array<i64: 1, 512>}, {transform_indices = @transform_3, window_bounds = array<i64: 2, 1024, 128>}, {transform_indices = @transform_4, window_bounds = array<i64: 4, 1024, 128>}]} {
    %get3A = arith.constant 0 : index
    %get3A_0 = arith.constant 0 : index
    %get3A_1 = arith.constant 0 : index
    %get3A_2 = vector.load %arg4[%get3A, %get3A_0, %get3A_1] : memref<2x1024x128xf32, #tpu.memory_space<vmem>>, vector<1x1024x1xf32>
    %get3A_3 = vector.shape_cast %get3A_2 : vector<1x1024x1xf32> to vector<1024x1xf32>
    %get3A_4 = arith.constant 1 : index
    %get3A_5 = arith.constant 0 : index
    %get3A_6 = arith.constant 0 : index
    %get3A_7 = vector.load %arg4[%get3A_4, %get3A_5, %get3A_6] : memref<2x1024x128xf32, #tpu.memory_space<vmem>>, vector<1x1024x1xf32>
    %get3A_8 = vector.shape_cast %get3A_7 : vector<1x1024x1xf32> to vector<1024x1xf32>
    %add3A = arith.addf %get3A_3, %get3A_8 : vector<1024x1xf32>
    %add3A_9 = arith.constant 1.000000e+00 : f32
    %add3A_10 = vector.broadcast %add3A_9 : f32 to vector<1024x1xf32>
    %add3A_11 = arith.addf %add3A, %add3A_10 : vector<1024x1xf32>
    %rsqrt3A = math.rsqrt %add3A_11 : vector<1024x1xf32>
    %get3A_12 = arith.constant 0 : index
    %get3A_13 = arith.constant 0 : index
    %get3A_14 = vector.load %arg1[%get3A_12, %get3A_13] : memref<1024x256xf32, #tpu.memory_space<vmem>>, vector<1024x256xf32>
    %get3A_15 = arith.constant 0 : index
    %get3A_16 = arith.constant 0 : index
    %get3A_17 = vector.load %arg2[%get3A_15, %get3A_16] : memref<512x256xf32, #tpu.memory_space<vmem>>, vector<512x256xf32>
    %get3A_18 = arith.constant 0 : index
    %get3A_19 = arith.constant 0 : index
    %get3A_20 = vector.load %arg3[%get3A_18, %get3A_19] : memref<1x512xf32, #tpu.memory_space<vmem>>, vector<1x512xf32>
    %slice3A = vector.extract_strided_slice %get3A_17 {offsets = [0, 0], sizes = [128, 256], strides = [1, 1]} : vector<512x256xf32> to vector<128x256xf32>
    %dot_general3A = arith.constant dense<0.000000e+00> : vector<1024x128xf32>
    %dot_general3A_21 = tpu.matmul %get3A_14, %slice3A, %dot_general3A {dimension_numbers = #tpu.dot_dimension_numbers<[1], [1], [0], [0], [0, 0, 1, 0], [], []>, transpose_lhs_hint = false} : vector<1024x256xf32>, vector<128x256xf32>, vector<1024x128xf32> -> vector<1024x128xf32>
    %slice3A_22 = vector.extract_strided_slice %get3A_20 {offsets = [0, 0], sizes = [1, 128], strides = [1, 1]} : vector<1x512xf32> to vector<1x128xf32>
    %add3A_23 = vector.broadcast %slice3A_22 : vector<1x128xf32> to vector<1024x128xf32>
    %add3A_24 = arith.addf %dot_general3A_21, %add3A_23 : vector<1024x128xf32>
    %mul3A = vector.broadcast %rsqrt3A : vector<1024x1xf32> to vector<1024x128xf32>
    %mul3A_25 = arith.mulf %mul3A, %add3A_24 : vector<1024x128xf32>
    %swap3A = arith.constant 0 : index
    %swap3A_26 = arith.constant 0 : index
    %swap3A_27 = arith.constant 0 : index
    %swap3A_28 = vector.load %arg5[%swap3A, %swap3A_26, %swap3A_27] : memref<4x1024x128xf32, #tpu.memory_space<vmem>>, vector<1x1024x128xf32>
    %swap3A_29 = vector.shape_cast %swap3A_28 : vector<1x1024x128xf32> to vector<1024x128xf32>
    %swap3A_30 = vector.shape_cast %mul3A_25 : vector<1024x128xf32> to vector<1x1024x128xf32>
    tpu.vector_store %arg5[%swap3A, %swap3A_26, %swap3A_27], %swap3A_30 {strides = array<i32>} : memref<4x1024x128xf32, #tpu.memory_space<vmem>>, vector<1x1024x128xf32>,
    %slice3A_31 = vector.extract_strided_slice %get3A_17 {offsets = [128, 0], sizes = [128, 256], strides = [1, 1]} : vector<512x256xf32> to vector<128x256xf32>
    %dot_general3A_32 = arith.constant dense<0.000000e+00> : vector<1024x128xf32>
    %dot_general3A_33 = tpu.matmul %get3A_14, %slice3A_31, %dot_general3A_32 {dimension_numbers = #tpu.dot_dimension_numbers<[1], [1], [0], [0], [0, 0, 1, 0], [], []>, transpose_lhs_hint = false} : vector<1024x256xf32>, vector<128x256xf32>, vector<1024x128xf32> -> vector<1024x128xf32>
    %slice3A_34 = vector.extract_strided_slice %get3A_20 {offsets = [0, 128], sizes = [1, 128], strides = [1, 1]} : vector<1x512xf32> to vector<1x128xf32>
    %add3A_35 = vector.broadcast %slice3A_34 : vector<1x128xf32> to vector<1024x128xf32>
    %add3A_36 = arith.addf %dot_general3A_33, %add3A_35 : vector<1024x128xf32>
    %mul3A_37 = vector.broadcast %rsqrt3A : vector<1024x1xf32> to vector<1024x128xf32>
    %mul3A_38 = arith.mulf %mul3A_37, %add3A_36 : vector<1024x128xf32>
    %swap3A_39 = arith.constant 1 : index
    %swap3A_40 = arith.constant 0 : index
    %swap3A_41 = arith.constant 0 : index
    %swap3A_42 = vector.load %arg5[%swap3A_39, %swap3A_40, %swap3A_41] : memref<4x1024x128xf32, #tpu.memory_space<vmem>>, vector<1x1024x128xf32>
    %swap3A_43 = vector.shape_cast %swap3A_42 : vector<1x1024x128xf32> to vector<1024x128xf32>
    %swap3A_44 = vector.shape_cast %mul3A_38 : vector<1024x128xf32> to vector<1x1024x128xf32>
    tpu.vector_store %arg5[%swap3A_39, %swap3A_40, %swap3A_41], %swap3A_44 {strides = array<i32>} : memref<4x1024x128xf32, #tpu.memory_space<vmem>>, vector<1x1024x128xf32>,
    %slice3A_45 = vector.extract_strided_slice %get3A_17 {offsets = [256, 0], sizes = [128, 256], strides = [1, 1]} : vector<512x256xf32> to vector<128x256xf32>
    %dot_general3A_46 = arith.constant dense<0.000000e+00> : vector<1024x128xf32>
    %dot_general3A_47 = tpu.matmul %get3A_14, %slice3A_45, %dot_general3A_46 {dimension_numbers = #tpu.dot_dimension_numbers<[1], [1], [0], [0], [0, 0, 1, 0], [], []>, transpose_lhs_hint = false} : vector<1024x256xf32>, vector<128x256xf32>, vector<1024x128xf32> -> vector<1024x128xf32>
    %slice3A_48 = vector.extract_strided_slice %get3A_20 {offsets = [0, 256], sizes = [1, 128], strides = [1, 1]} : vector<1x512xf32> to vector<1x128xf32>
    %add3A_49 = vector.broadcast %slice3A_48 : vector<1x128xf32> to vector<1024x128xf32>
    %add3A_50 = arith.addf %dot_general3A_47, %add3A_49 : vector<1024x128xf32>
    %mul3A_51 = vector.broadcast %rsqrt3A : vector<1024x1xf32> to vector<1024x128xf32>
    %mul3A_52 = arith.mulf %mul3A_51, %add3A_50 : vector<1024x128xf32>
    %swap3A_53 = arith.constant 2 : index
    %swap3A_54 = arith.constant 0 : index
    %swap3A_55 = arith.constant 0 : index
    %swap3A_56 = vector.load %arg5[%swap3A_53, %swap3A_54, %swap3A_55] : memref<4x1024x128xf32, #tpu.memory_space<vmem>>, vector<1x1024x128xf32>
    %swap3A_57 = vector.shape_cast %swap3A_56 : vector<1x1024x128xf32> to vector<1024x128xf32>
    %swap3A_58 = vector.shape_cast %mul3A_52 : vector<1024x128xf32> to vector<1x1024x128xf32>
    tpu.vector_store %arg5[%swap3A_53, %swap3A_54, %swap3A_55], %swap3A_58 {strides = array<i32>} : memref<4x1024x128xf32, #tpu.memory_space<vmem>>, vector<1x1024x128xf32>,
    %slice3A_59 = vector.extract_strided_slice %get3A_17 {offsets = [384, 0], sizes = [128, 256], strides = [1, 1]} : vector<512x256xf32> to vector<128x256xf32>
    %dot_general3A_60 = arith.constant dense<0.000000e+00> : vector<1024x128xf32>
    %dot_general3A_61 = tpu.matmul %get3A_14, %slice3A_59, %dot_general3A_60 {dimension_numbers = #tpu.dot_dimension_numbers<[1], [1], [0], [0], [0, 0, 1, 0], [], []>, transpose_lhs_hint = false} : vector<1024x256xf32>, vector<128x256xf32>, vector<1024x128xf32> -> vector<1024x128xf32>
    %slice3A_62 = vector.extract_strided_slice %get3A_20 {offsets = [0, 384], sizes = [1, 128], strides = [1, 1]} : vector<1x512xf32> to vector<1x128xf32>
    %add3A_63 = vector.broadcast %slice3A_62 : vector<1x128xf32> to vector<1024x128xf32>
    %add3A_64 = arith.addf %dot_general3A_61, %add3A_63 : vector<1024x128xf32>
    %mul3A_65 = vector.broadcast %rsqrt3A : vector<1024x1xf32> to vector<1024x128xf32>
    %mul3A_66 = arith.mulf %mul3A_65, %add3A_64 : vector<1024x128xf32>
    %swap3A_67 = arith.constant 3 : index
    %swap3A_68 = arith.constant 0 : index
    %swap3A_69 = arith.constant 0 : index
    %swap3A_70 = vector.load %arg5[%swap3A_67, %swap3A_68, %swap3A_69] : memref<4x1024x128xf32, #tpu.memory_space<vmem>>, vector<1x1024x128xf32>
    %swap3A_71 = vector.shape_cast %swap3A_70 : vector<1x1024x128xf32> to vector<1024x128xf32>
    %swap3A_72 = vector.shape_cast %mul3A_66 : vector<1024x128xf32> to vector<1x1024x128xf32>
    tpu.vector_store %arg5[%swap3A_67, %swap3A_68, %swap3A_69], %swap3A_72 {strides = array<i32>} : memref<4x1024x128xf32, #tpu.memory_space<vmem>>, vector<1x1024x128xf32>,
    return
  }
  func.func @transform_0(%arg0: i32) -> (i32, i32) {
    %c0_i32 = arith.constant 0 : i32
    %c0_i32_0 = arith.constant 0 : i32
    return %arg0, %c0_i32 : i32, i32
  }
  func.func @transform_1(%arg0: i32) -> (i32, i32) {
    %c0_i32 = arith.constant 0 : i32
    %c0_i32_0 = arith.constant 0 : i32
    %c0_i32_1 = arith.constant 0 : i32
    return %c0_i32, %c0_i32_0 : i32, i32
  }
  func.func @transform_2(%arg0: i32) -> (i32, i32) {
    %c0_i32 = arith.constant 0 : i32
    %c0_i32_0 = arith.constant 0 : i32
    %c0_i32_1 = arith.constant 0 : i32
    return %c0_i32, %c0_i32_0 : i32, i32
  }
  func.func @transform_3(%arg0: i32) -> (i32, i32, i32) {
    %c0_i32 = arith.constant 0 : i32
    %c0_i32_0 = arith.constant 0 : i32
    %c0_i32_1 = arith.constant 0 : i32
    return %c0_i32, %arg0, %c0_i32_0 : i32, i32, i32
  }
  func.func @transform_4(%arg0: i32) -> (i32, i32, i32) {
    %c0_i32 = arith.constant 0 : i32
    %c0_i32_0 = arith.constant 0 : i32
    %c0_i32_1 = arith.constant 0 : i32
    return %c0_i32, %arg0, %c0_i32_0 : i32, i32, i32
  }
}

module attributes {stable_mosaic.version = 14 : i64} {
  func.func @_mm2_body(%arg0: i32, %arg1: memref<4x1024x128xf32, #tpu.memory_space<vmem>>, %arg2: memref<4x1024x128xf32, #tpu.memory_space<vmem>>, %arg3: memref<512x512xf32, #tpu.memory_space<vmem>>, %arg4: memref<1x512xf32, #tpu.memory_space<vmem>>, %arg5: memref<2x1024x128xf32, #tpu.memory_space<vmem>>, %arg6: memref<4x1024x128xf32, #tpu.memory_space<vmem>>) attributes {dimension_semantics = [#tpu.dimension_semantics<arbitrary>], iteration_bounds = array<i64: 10>, scalar_prefetch = 0 : i64, scratch_operands = 0 : i64, tpu.core_type = #tpu.core_type<tc>, window_params = [{transform_indices = @transform_0, window_bounds = array<i64: 4, 1024, 128>}, {transform_indices = @transform_1, window_bounds = array<i64: 4, 1024, 128>}, {pipeline_mode = #tpu.pipeline_mode<synchronous>, transform_indices = @transform_2, window_bounds = array<i64: 512, 512>}, {pipeline_mode = #tpu.pipeline_mode<synchronous>, transform_indices = @transform_3, window_bounds = array<i64: 1, 512>}, {transform_indices = @transform_4, window_bounds = array<i64: 2, 1024, 128>}, {transform_indices = @transform_5, window_bounds = array<i64: 4, 1024, 128>}]} {
    %get3A = arith.constant 0 : index
    %get3A_0 = arith.constant 0 : index
    %get3A_1 = arith.constant 0 : index
    %get3A_2 = vector.load %arg5[%get3A, %get3A_0, %get3A_1] : memref<2x1024x128xf32, #tpu.memory_space<vmem>>, vector<1x1024x1xf32>
    %get3A_3 = vector.shape_cast %get3A_2 : vector<1x1024x1xf32> to vector<1024x1xf32>
    %get3A_4 = arith.constant 1 : index
    %get3A_5 = arith.constant 0 : index
    %get3A_6 = arith.constant 0 : index
    %get3A_7 = vector.load %arg5[%get3A_4, %get3A_5, %get3A_6] : memref<2x1024x128xf32, #tpu.memory_space<vmem>>, vector<1x1024x1xf32>
    %get3A_8 = vector.shape_cast %get3A_7 : vector<1x1024x1xf32> to vector<1024x1xf32>
    %add3A = arith.addf %get3A_3, %get3A_8 : vector<1024x1xf32>
    %add3A_9 = arith.constant 1.000000e+00 : f32
    %add3A_10 = vector.broadcast %add3A_9 : f32 to vector<1024x1xf32>
    %add3A_11 = arith.addf %add3A, %add3A_10 : vector<1024x1xf32>
    %rsqrt3A = math.rsqrt %add3A_11 : vector<1024x1xf32>
    %get3A_12 = arith.constant 0 : index
    %get3A_13 = arith.constant 0 : index
    %get3A_14 = vector.load %arg3[%get3A_12, %get3A_13] : memref<512x512xf32, #tpu.memory_space<vmem>>, vector<512x512xf32>
    %get3A_15 = arith.constant 0 : index
    %get3A_16 = arith.constant 0 : index
    %get3A_17 = vector.load %arg4[%get3A_15, %get3A_16] : memref<1x512xf32, #tpu.memory_space<vmem>>, vector<1x512xf32>
    %get3A_18 = arith.constant 0 : index
    %get3A_19 = arith.constant 0 : index
    %get3A_20 = arith.constant 0 : index
    %get3A_21 = vector.load %arg1[%get3A_18, %get3A_19, %get3A_20] : memref<4x1024x128xf32, #tpu.memory_space<vmem>>, vector<1x1024x128xf32>
    %get3A_22 = vector.shape_cast %get3A_21 : vector<1x1024x128xf32> to vector<1024x128xf32>
    %get3A_23 = arith.constant 0 : index
    %get3A_24 = arith.constant 0 : index
    %get3A_25 = arith.constant 0 : index
    %get3A_26 = vector.load %arg2[%get3A_23, %get3A_24, %get3A_25] : memref<4x1024x128xf32, #tpu.memory_space<vmem>>, vector<1x1024x128xf32>
    %get3A_27 = vector.shape_cast %get3A_26 : vector<1x1024x128xf32> to vector<1024x128xf32>
    %add3A_28 = arith.addf %get3A_22, %get3A_27 : vector<1024x128xf32>
    %mul3A = vector.broadcast %rsqrt3A : vector<1024x1xf32> to vector<1024x128xf32>
    %mul3A_29 = arith.mulf %mul3A, %add3A_28 : vector<1024x128xf32>
    %max3A = arith.constant 0.000000e+00 : f32
    %max3A_30 = vector.broadcast %max3A : f32 to vector<1024x128xf32>
    %max3A_31 = arith.maximumf %mul3A_29, %max3A_30 : vector<1024x128xf32>
    %get3A_32 = arith.constant 1 : index
    %get3A_33 = arith.constant 0 : index
    %get3A_34 = arith.constant 0 : index
    %get3A_35 = vector.load %arg1[%get3A_32, %get3A_33, %get3A_34] : memref<4x1024x128xf32, #tpu.memory_space<vmem>>, vector<1x1024x128xf32>
    %get3A_36 = vector.shape_cast %get3A_35 : vector<1x1024x128xf32> to vector<1024x128xf32>
    %get3A_37 = arith.constant 1 : index
    %get3A_38 = arith.constant 0 : index
    %get3A_39 = arith.constant 0 : index
    %get3A_40 = vector.load %arg2[%get3A_37, %get3A_38, %get3A_39] : memref<4x1024x128xf32, #tpu.memory_space<vmem>>, vector<1x1024x128xf32>
    %get3A_41 = vector.shape_cast %get3A_40 : vector<1x1024x128xf32> to vector<1024x128xf32>
    %add3A_42 = arith.addf %get3A_36, %get3A_41 : vector<1024x128xf32>
    %mul3A_43 = vector.broadcast %rsqrt3A : vector<1024x1xf32> to vector<1024x128xf32>
    %mul3A_44 = arith.mulf %mul3A_43, %add3A_42 : vector<1024x128xf32>
    %max3A_45 = arith.constant 0.000000e+00 : f32
    %max3A_46 = vector.broadcast %max3A_45 : f32 to vector<1024x128xf32>
    %max3A_47 = arith.maximumf %mul3A_44, %max3A_46 : vector<1024x128xf32>
    %get3A_48 = arith.constant 2 : index
    %get3A_49 = arith.constant 0 : index
    %get3A_50 = arith.constant 0 : index
    %get3A_51 = vector.load %arg1[%get3A_48, %get3A_49, %get3A_50] : memref<4x1024x128xf32, #tpu.memory_space<vmem>>, vector<1x1024x128xf32>
    %get3A_52 = vector.shape_cast %get3A_51 : vector<1x1024x128xf32> to vector<1024x128xf32>
    %get3A_53 = arith.constant 2 : index
    %get3A_54 = arith.constant 0 : index
    %get3A_55 = arith.constant 0 : index
    %get3A_56 = vector.load %arg2[%get3A_53, %get3A_54, %get3A_55] : memref<4x1024x128xf32, #tpu.memory_space<vmem>>, vector<1x1024x128xf32>
    %get3A_57 = vector.shape_cast %get3A_56 : vector<1x1024x128xf32> to vector<1024x128xf32>
    %add3A_58 = arith.addf %get3A_52, %get3A_57 : vector<1024x128xf32>
    %mul3A_59 = vector.broadcast %rsqrt3A : vector<1024x1xf32> to vector<1024x128xf32>
    %mul3A_60 = arith.mulf %mul3A_59, %add3A_58 : vector<1024x128xf32>
    %max3A_61 = arith.constant 0.000000e+00 : f32
    %max3A_62 = vector.broadcast %max3A_61 : f32 to vector<1024x128xf32>
    %max3A_63 = arith.maximumf %mul3A_60, %max3A_62 : vector<1024x128xf32>
    %get3A_64 = arith.constant 3 : index
    %get3A_65 = arith.constant 0 : index
    %get3A_66 = arith.constant 0 : index
    %get3A_67 = vector.load %arg1[%get3A_64, %get3A_65, %get3A_66] : memref<4x1024x128xf32, #tpu.memory_space<vmem>>, vector<1x1024x128xf32>
    %get3A_68 = vector.shape_cast %get3A_67 : vector<1x1024x128xf32> to vector<1024x128xf32>
    %get3A_69 = arith.constant 3 : index
    %get3A_70 = arith.constant 0 : index
    %get3A_71 = arith.constant 0 : index
    %get3A_72 = vector.load %arg2[%get3A_69, %get3A_70, %get3A_71] : memref<4x1024x128xf32, #tpu.memory_space<vmem>>, vector<1x1024x128xf32>
    %get3A_73 = vector.shape_cast %get3A_72 : vector<1x1024x128xf32> to vector<1024x128xf32>
    %add3A_74 = arith.addf %get3A_68, %get3A_73 : vector<1024x128xf32>
    %mul3A_75 = vector.broadcast %rsqrt3A : vector<1024x1xf32> to vector<1024x128xf32>
    %mul3A_76 = arith.mulf %mul3A_75, %add3A_74 : vector<1024x128xf32>
    %max3A_77 = arith.constant 0.000000e+00 : f32
    %max3A_78 = vector.broadcast %max3A_77 : f32 to vector<1024x128xf32>
    %max3A_79 = arith.maximumf %mul3A_76, %max3A_78 : vector<1024x128xf32>
    %slice3A = vector.extract_strided_slice %get3A_14 {offsets = [0, 0], sizes = [128, 128], strides = [1, 1]} : vector<512x512xf32> to vector<128x128xf32>
    %dot_general3A = arith.constant dense<0.000000e+00> : vector<1024x128xf32>
    %dot_general3A_80 = tpu.matmul %max3A_31, %slice3A, %dot_general3A {dimension_numbers = #tpu.dot_dimension_numbers<[1], [1], [0], [0], [0, 0, 1, 0], [], []>, transpose_lhs_hint = false} : vector<1024x128xf32>, vector<128x128xf32>, vector<1024x128xf32> -> vector<1024x128xf32>
    %slice3A_81 = vector.extract_strided_slice %get3A_14 {offsets = [0, 128], sizes = [128, 128], strides = [1, 1]} : vector<512x512xf32> to vector<128x128xf32>
    %dot_general3A_82 = arith.constant dense<0.000000e+00> : vector<1024x128xf32>
    %dot_general3A_83 = tpu.matmul %max3A_47, %slice3A_81, %dot_general3A_82 {dimension_numbers = #tpu.dot_dimension_numbers<[1], [1], [0], [0], [0, 0, 1, 0], [], []>, transpose_lhs_hint = false} : vector<1024x128xf32>, vector<128x128xf32>, vector<1024x128xf32> -> vector<1024x128xf32>
    %add3A_84 = arith.addf %dot_general3A_80, %dot_general3A_83 : vector<1024x128xf32>
    %slice3A_85 = vector.extract_strided_slice %get3A_14 {offsets = [0, 256], sizes = [128, 128], strides = [1, 1]} : vector<512x512xf32> to vector<128x128xf32>
    %dot_general3A_86 = arith.constant dense<0.000000e+00> : vector<1024x128xf32>
    %dot_general3A_87 = tpu.matmul %max3A_63, %slice3A_85, %dot_general3A_86 {dimension_numbers = #tpu.dot_dimension_numbers<[1], [1], [0], [0], [0, 0, 1, 0], [], []>, transpose_lhs_hint = false} : vector<1024x128xf32>, vector<128x128xf32>, vector<1024x128xf32> -> vector<1024x128xf32>
    %add3A_88 = arith.addf %add3A_84, %dot_general3A_87 : vector<1024x128xf32>
    %slice3A_89 = vector.extract_strided_slice %get3A_14 {offsets = [0, 384], sizes = [128, 128], strides = [1, 1]} : vector<512x512xf32> to vector<128x128xf32>
    %dot_general3A_90 = arith.constant dense<0.000000e+00> : vector<1024x128xf32>
    %dot_general3A_91 = tpu.matmul %max3A_79, %slice3A_89, %dot_general3A_90 {dimension_numbers = #tpu.dot_dimension_numbers<[1], [1], [0], [0], [0, 0, 1, 0], [], []>, transpose_lhs_hint = false} : vector<1024x128xf32>, vector<128x128xf32>, vector<1024x128xf32> -> vector<1024x128xf32>
    %add3A_92 = arith.addf %add3A_88, %dot_general3A_91 : vector<1024x128xf32>
    %slice3A_93 = vector.extract_strided_slice %get3A_17 {offsets = [0, 0], sizes = [1, 128], strides = [1, 1]} : vector<1x512xf32> to vector<1x128xf32>
    %add3A_94 = vector.broadcast %slice3A_93 : vector<1x128xf32> to vector<1024x128xf32>
    %add3A_95 = arith.addf %add3A_92, %add3A_94 : vector<1024x128xf32>
    %mul3A_96 = vector.broadcast %rsqrt3A : vector<1024x1xf32> to vector<1024x128xf32>
    %mul3A_97 = arith.mulf %mul3A_96, %add3A_95 : vector<1024x128xf32>
    %swap3A = arith.constant 0 : index
    %swap3A_98 = arith.constant 0 : index
    %swap3A_99 = arith.constant 0 : index
    %swap3A_100 = vector.load %arg6[%swap3A, %swap3A_98, %swap3A_99] : memref<4x1024x128xf32, #tpu.memory_space<vmem>>, vector<1x1024x128xf32>
    %swap3A_101 = vector.shape_cast %swap3A_100 : vector<1x1024x128xf32> to vector<1024x128xf32>
    %swap3A_102 = vector.shape_cast %mul3A_97 : vector<1024x128xf32> to vector<1x1024x128xf32>
    tpu.vector_store %arg6[%swap3A, %swap3A_98, %swap3A_99], %swap3A_102 {strides = array<i32>} : memref<4x1024x128xf32, #tpu.memory_space<vmem>>, vector<1x1024x128xf32>,
    %slice3A_103 = vector.extract_strided_slice %get3A_14 {offsets = [128, 0], sizes = [128, 128], strides = [1, 1]} : vector<512x512xf32> to vector<128x128xf32>
    %dot_general3A_104 = arith.constant dense<0.000000e+00> : vector<1024x128xf32>
    %dot_general3A_105 = tpu.matmul %max3A_31, %slice3A_103, %dot_general3A_104 {dimension_numbers = #tpu.dot_dimension_numbers<[1], [1], [0], [0], [0, 0, 1, 0], [], []>, transpose_lhs_hint = false} : vector<1024x128xf32>, vector<128x128xf32>, vector<1024x128xf32> -> vector<1024x128xf32>
    %slice3A_106 = vector.extract_strided_slice %get3A_14 {offsets = [128, 128], sizes = [128, 128], strides = [1, 1]} : vector<512x512xf32> to vector<128x128xf32>
    %dot_general3A_107 = arith.constant dense<0.000000e+00> : vector<1024x128xf32>
    %dot_general3A_108 = tpu.matmul %max3A_47, %slice3A_106, %dot_general3A_107 {dimension_numbers = #tpu.dot_dimension_numbers<[1], [1], [0], [0], [0, 0, 1, 0], [], []>, transpose_lhs_hint = false} : vector<1024x128xf32>, vector<128x128xf32>, vector<1024x128xf32> -> vector<1024x128xf32>
    %add3A_109 = arith.addf %dot_general3A_105, %dot_general3A_108 : vector<1024x128xf32>
    %slice3A_110 = vector.extract_strided_slice %get3A_14 {offsets = [128, 256], sizes = [128, 128], strides = [1, 1]} : vector<512x512xf32> to vector<128x128xf32>
    %dot_general3A_111 = arith.constant dense<0.000000e+00> : vector<1024x128xf32>
    %dot_general3A_112 = tpu.matmul %max3A_63, %slice3A_110, %dot_general3A_111 {dimension_numbers = #tpu.dot_dimension_numbers<[1], [1], [0], [0], [0, 0, 1, 0], [], []>, transpose_lhs_hint = false} : vector<1024x128xf32>, vector<128x128xf32>, vector<1024x128xf32> -> vector<1024x128xf32>
    %add3A_113 = arith.addf %add3A_109, %dot_general3A_112 : vector<1024x128xf32>
    %slice3A_114 = vector.extract_strided_slice %get3A_14 {offsets = [128, 384], sizes = [128, 128], strides = [1, 1]} : vector<512x512xf32> to vector<128x128xf32>
    %dot_general3A_115 = arith.constant dense<0.000000e+00> : vector<1024x128xf32>
    %dot_general3A_116 = tpu.matmul %max3A_79, %slice3A_114, %dot_general3A_115 {dimension_numbers = #tpu.dot_dimension_numbers<[1], [1], [0], [0], [0, 0, 1, 0], [], []>, transpose_lhs_hint = false} : vector<1024x128xf32>, vector<128x128xf32>, vector<1024x128xf32> -> vector<1024x128xf32>
    %add3A_117 = arith.addf %add3A_113, %dot_general3A_116 : vector<1024x128xf32>
    %slice3A_118 = vector.extract_strided_slice %get3A_17 {offsets = [0, 128], sizes = [1, 128], strides = [1, 1]} : vector<1x512xf32> to vector<1x128xf32>
    %add3A_119 = vector.broadcast %slice3A_118 : vector<1x128xf32> to vector<1024x128xf32>
    %add3A_120 = arith.addf %add3A_117, %add3A_119 : vector<1024x128xf32>
    %mul3A_121 = vector.broadcast %rsqrt3A : vector<1024x1xf32> to vector<1024x128xf32>
    %mul3A_122 = arith.mulf %mul3A_121, %add3A_120 : vector<1024x128xf32>
    %swap3A_123 = arith.constant 1 : index
    %swap3A_124 = arith.constant 0 : index
    %swap3A_125 = arith.constant 0 : index
    %swap3A_126 = vector.load %arg6[%swap3A_123, %swap3A_124, %swap3A_125] : memref<4x1024x128xf32, #tpu.memory_space<vmem>>, vector<1x1024x128xf32>
    %swap3A_127 = vector.shape_cast %swap3A_126 : vector<1x1024x128xf32> to vector<1024x128xf32>
    %swap3A_128 = vector.shape_cast %mul3A_122 : vector<1024x128xf32> to vector<1x1024x128xf32>
    tpu.vector_store %arg6[%swap3A_123, %swap3A_124, %swap3A_125], %swap3A_128 {strides = array<i32>} : memref<4x1024x128xf32, #tpu.memory_space<vmem>>, vector<1x1024x128xf32>,
    %slice3A_129 = vector.extract_strided_slice %get3A_14 {offsets = [256, 0], sizes = [128, 128], strides = [1, 1]} : vector<512x512xf32> to vector<128x128xf32>
    %dot_general3A_130 = arith.constant dense<0.000000e+00> : vector<1024x128xf32>
    %dot_general3A_131 = tpu.matmul %max3A_31, %slice3A_129, %dot_general3A_130 {dimension_numbers = #tpu.dot_dimension_numbers<[1], [1], [0], [0], [0, 0, 1, 0], [], []>, transpose_lhs_hint = false} : vector<1024x128xf32>, vector<128x128xf32>, vector<1024x128xf32> -> vector<1024x128xf32>
    %slice3A_132 = vector.extract_strided_slice %get3A_14 {offsets = [256, 128], sizes = [128, 128], strides = [1, 1]} : vector<512x512xf32> to vector<128x128xf32>
    %dot_general3A_133 = arith.constant dense<0.000000e+00> : vector<1024x128xf32>
    %dot_general3A_134 = tpu.matmul %max3A_47, %slice3A_132, %dot_general3A_133 {dimension_numbers = #tpu.dot_dimension_numbers<[1], [1], [0], [0], [0, 0, 1, 0], [], []>, transpose_lhs_hint = false} : vector<1024x128xf32>, vector<128x128xf32>, vector<1024x128xf32> -> vector<1024x128xf32>
    %add3A_135 = arith.addf %dot_general3A_131, %dot_general3A_134 : vector<1024x128xf32>
    %slice3A_136 = vector.extract_strided_slice %get3A_14 {offsets = [256, 256], sizes = [128, 128], strides = [1, 1]} : vector<512x512xf32> to vector<128x128xf32>
    %dot_general3A_137 = arith.constant dense<0.000000e+00> : vector<1024x128xf32>
    %dot_general3A_138 = tpu.matmul %max3A_63, %slice3A_136, %dot_general3A_137 {dimension_numbers = #tpu.dot_dimension_numbers<[1], [1], [0], [0], [0, 0, 1, 0], [], []>, transpose_lhs_hint = false} : vector<1024x128xf32>, vector<128x128xf32>, vector<1024x128xf32> -> vector<1024x128xf32>
    %add3A_139 = arith.addf %add3A_135, %dot_general3A_138 : vector<1024x128xf32>
    %slice3A_140 = vector.extract_strided_slice %get3A_14 {offsets = [256, 384], sizes = [128, 128], strides = [1, 1]} : vector<512x512xf32> to vector<128x128xf32>
    %dot_general3A_141 = arith.constant dense<0.000000e+00> : vector<1024x128xf32>
    %dot_general3A_142 = tpu.matmul %max3A_79, %slice3A_140, %dot_general3A_141 {dimension_numbers = #tpu.dot_dimension_numbers<[1], [1], [0], [0], [0, 0, 1, 0], [], []>, transpose_lhs_hint = false} : vector<1024x128xf32>, vector<128x128xf32>, vector<1024x128xf32> -> vector<1024x128xf32>
    %add3A_143 = arith.addf %add3A_139, %dot_general3A_142 : vector<1024x128xf32>
    %slice3A_144 = vector.extract_strided_slice %get3A_17 {offsets = [0, 256], sizes = [1, 128], strides = [1, 1]} : vector<1x512xf32> to vector<1x128xf32>
    %add3A_145 = vector.broadcast %slice3A_144 : vector<1x128xf32> to vector<1024x128xf32>
    %add3A_146 = arith.addf %add3A_143, %add3A_145 : vector<1024x128xf32>
    %mul3A_147 = vector.broadcast %rsqrt3A : vector<1024x1xf32> to vector<1024x128xf32>
    %mul3A_148 = arith.mulf %mul3A_147, %add3A_146 : vector<1024x128xf32>
    %swap3A_149 = arith.constant 2 : index
    %swap3A_150 = arith.constant 0 : index
    %swap3A_151 = arith.constant 0 : index
    %swap3A_152 = vector.load %arg6[%swap3A_149, %swap3A_150, %swap3A_151] : memref<4x1024x128xf32, #tpu.memory_space<vmem>>, vector<1x1024x128xf32>
    %swap3A_153 = vector.shape_cast %swap3A_152 : vector<1x1024x128xf32> to vector<1024x128xf32>
    %swap3A_154 = vector.shape_cast %mul3A_148 : vector<1024x128xf32> to vector<1x1024x128xf32>
    tpu.vector_store %arg6[%swap3A_149, %swap3A_150, %swap3A_151], %swap3A_154 {strides = array<i32>} : memref<4x1024x128xf32, #tpu.memory_space<vmem>>, vector<1x1024x128xf32>,
    %slice3A_155 = vector.extract_strided_slice %get3A_14 {offsets = [384, 0], sizes = [128, 128], strides = [1, 1]} : vector<512x512xf32> to vector<128x128xf32>
    %dot_general3A_156 = arith.constant dense<0.000000e+00> : vector<1024x128xf32>
    %dot_general3A_157 = tpu.matmul %max3A_31, %slice3A_155, %dot_general3A_156 {dimension_numbers = #tpu.dot_dimension_numbers<[1], [1], [0], [0], [0, 0, 1, 0], [], []>, transpose_lhs_hint = false} : vector<1024x128xf32>, vector<128x128xf32>, vector<1024x128xf32> -> vector<1024x128xf32>
    %slice3A_158 = vector.extract_strided_slice %get3A_14 {offsets = [384, 128], sizes = [128, 128], strides = [1, 1]} : vector<512x512xf32> to vector<128x128xf32>
    %dot_general3A_159 = arith.constant dense<0.000000e+00> : vector<1024x128xf32>
    %dot_general3A_160 = tpu.matmul %max3A_47, %slice3A_158, %dot_general3A_159 {dimension_numbers = #tpu.dot_dimension_numbers<[1], [1], [0], [0], [0, 0, 1, 0], [], []>, transpose_lhs_hint = false} : vector<1024x128xf32>, vector<128x128xf32>, vector<1024x128xf32> -> vector<1024x128xf32>
    %add3A_161 = arith.addf %dot_general3A_157, %dot_general3A_160 : vector<1024x128xf32>
    %slice3A_162 = vector.extract_strided_slice %get3A_14 {offsets = [384, 256], sizes = [128, 128], strides = [1, 1]} : vector<512x512xf32> to vector<128x128xf32>
    %dot_general3A_163 = arith.constant dense<0.000000e+00> : vector<1024x128xf32>
    %dot_general3A_164 = tpu.matmul %max3A_63, %slice3A_162, %dot_general3A_163 {dimension_numbers = #tpu.dot_dimension_numbers<[1], [1], [0], [0], [0, 0, 1, 0], [], []>, transpose_lhs_hint = false} : vector<1024x128xf32>, vector<128x128xf32>, vector<1024x128xf32> -> vector<1024x128xf32>
    %add3A_165 = arith.addf %add3A_161, %dot_general3A_164 : vector<1024x128xf32>
    %slice3A_166 = vector.extract_strided_slice %get3A_14 {offsets = [384, 384], sizes = [128, 128], strides = [1, 1]} : vector<512x512xf32> to vector<128x128xf32>
    %dot_general3A_167 = arith.constant dense<0.000000e+00> : vector<1024x128xf32>
    %dot_general3A_168 = tpu.matmul %max3A_79, %slice3A_166, %dot_general3A_167 {dimension_numbers = #tpu.dot_dimension_numbers<[1], [1], [0], [0], [0, 0, 1, 0], [], []>, transpose_lhs_hint = false} : vector<1024x128xf32>, vector<128x128xf32>, vector<1024x128xf32> -> vector<1024x128xf32>
    %add3A_169 = arith.addf %add3A_165, %dot_general3A_168 : vector<1024x128xf32>
    %slice3A_170 = vector.extract_strided_slice %get3A_17 {offsets = [0, 384], sizes = [1, 128], strides = [1, 1]} : vector<1x512xf32> to vector<1x128xf32>
    %add3A_171 = vector.broadcast %slice3A_170 : vector<1x128xf32> to vector<1024x128xf32>
    %add3A_172 = arith.addf %add3A_169, %add3A_171 : vector<1024x128xf32>
    %mul3A_173 = vector.broadcast %rsqrt3A : vector<1024x1xf32> to vector<1024x128xf32>
    %mul3A_174 = arith.mulf %mul3A_173, %add3A_172 : vector<1024x128xf32>
    %swap3A_175 = arith.constant 3 : index
    %swap3A_176 = arith.constant 0 : index
    %swap3A_177 = arith.constant 0 : index
    %swap3A_178 = vector.load %arg6[%swap3A_175, %swap3A_176, %swap3A_177] : memref<4x1024x128xf32, #tpu.memory_space<vmem>>, vector<1x1024x128xf32>
    %swap3A_179 = vector.shape_cast %swap3A_178 : vector<1x1024x128xf32> to vector<1024x128xf32>
    %swap3A_180 = vector.shape_cast %mul3A_174 : vector<1024x128xf32> to vector<1x1024x128xf32>
    tpu.vector_store %arg6[%swap3A_175, %swap3A_176, %swap3A_177], %swap3A_180 {strides = array<i32>} : memref<4x1024x128xf32, #tpu.memory_space<vmem>>, vector<1x1024x128xf32>,
    return
  }
  func.func @transform_0(%arg0: i32) -> (i32, i32, i32) {
    %c0_i32 = arith.constant 0 : i32
    %c0_i32_0 = arith.constant 0 : i32
    %c0_i32_1 = arith.constant 0 : i32
    return %c0_i32, %arg0, %c0_i32_0 : i32, i32, i32
  }
  func.func @transform_1(%arg0: i32) -> (i32, i32, i32) {
    %c0_i32 = arith.constant 0 : i32
    %c0_i32_0 = arith.constant 0 : i32
    %c0_i32_1 = arith.constant 0 : i32
    return %c0_i32, %arg0, %c0_i32_0 : i32, i32, i32
  }
  func.func @transform_2(%arg0: i32) -> (i32, i32) {
    %c0_i32 = arith.constant 0 : i32
    %c0_i32_0 = arith.constant 0 : i32
    %c0_i32_1 = arith.constant 0 : i32
    return %c0_i32, %c0_i32_0 : i32, i32
  }
  func.func @transform_3(%arg0: i32) -> (i32, i32) {
    %c0_i32 = arith.constant 0 : i32
    %c0_i32_0 = arith.constant 0 : i32
    %c0_i32_1 = arith.constant 0 : i32
    return %c0_i32, %c0_i32_0 : i32, i32
  }
  func.func @transform_4(%arg0: i32) -> (i32, i32, i32) {
    %c0_i32 = arith.constant 0 : i32
    %c0_i32_0 = arith.constant 0 : i32
    %c0_i32_1 = arith.constant 0 : i32
    return %c0_i32, %arg0, %c0_i32_0 : i32, i32, i32
  }
  func.func @transform_5(%arg0: i32) -> (i32, i32, i32) {
    %c0_i32 = arith.constant 0 : i32
    %c0_i32_0 = arith.constant 0 : i32
    %c0_i32_1 = arith.constant 0 : i32
    return %c0_i32, %arg0, %c0_i32_0 : i32, i32, i32
  }
}

module attributes {stable_mosaic.version = 14 : i64} {
  func.func @_mm3_body(%arg0: i32, %arg1: memref<4x1024x128xf32, #tpu.memory_space<vmem>>, %arg2: memref<4x1024x128xf32, #tpu.memory_space<vmem>>, %arg3: memref<64x512xf32, #tpu.memory_space<vmem>>, %arg4: memref<1x64xf32, #tpu.memory_space<vmem>>, %arg5: memref<2x1024x128xf32, #tpu.memory_space<vmem>>, %arg6: memref<1024x64xf32, #tpu.memory_space<vmem>>) attributes {dimension_semantics = [#tpu.dimension_semantics<arbitrary>], iteration_bounds = array<i64: 10>, scalar_prefetch = 0 : i64, scratch_operands = 0 : i64, tpu.core_type = #tpu.core_type<tc>, window_params = [{transform_indices = @transform_0, window_bounds = array<i64: 4, 1024, 128>}, {transform_indices = @transform_1, window_bounds = array<i64: 4, 1024, 128>}, {pipeline_mode = #tpu.pipeline_mode<synchronous>, transform_indices = @transform_2, window_bounds = array<i64: 64, 512>}, {pipeline_mode = #tpu.pipeline_mode<synchronous>, transform_indices = @transform_3, window_bounds = array<i64: 1, 64>}, {transform_indices = @transform_4, window_bounds = array<i64: 2, 1024, 128>}, {transform_indices = @transform_5, window_bounds = array<i64: 1024, 64>}]} {
    %get3A = arith.constant 0 : index
    %get3A_0 = arith.constant 0 : index
    %get3A_1 = arith.constant 0 : index
    %get3A_2 = vector.load %arg5[%get3A, %get3A_0, %get3A_1] : memref<2x1024x128xf32, #tpu.memory_space<vmem>>, vector<1x1024x1xf32>
    %get3A_3 = vector.shape_cast %get3A_2 : vector<1x1024x1xf32> to vector<1024x1xf32>
    %get3A_4 = arith.constant 1 : index
    %get3A_5 = arith.constant 0 : index
    %get3A_6 = arith.constant 0 : index
    %get3A_7 = vector.load %arg5[%get3A_4, %get3A_5, %get3A_6] : memref<2x1024x128xf32, #tpu.memory_space<vmem>>, vector<1x1024x1xf32>
    %get3A_8 = vector.shape_cast %get3A_7 : vector<1x1024x1xf32> to vector<1024x1xf32>
    %add3A = arith.addf %get3A_3, %get3A_8 : vector<1024x1xf32>
    %add3A_9 = arith.constant 1.000000e+00 : f32
    %add3A_10 = vector.broadcast %add3A_9 : f32 to vector<1024x1xf32>
    %add3A_11 = arith.addf %add3A, %add3A_10 : vector<1024x1xf32>
    %rsqrt3A = math.rsqrt %add3A_11 : vector<1024x1xf32>
    %get3A_12 = arith.constant 0 : index
    %get3A_13 = arith.constant 0 : index
    %get3A_14 = vector.load %arg3[%get3A_12, %get3A_13] : memref<64x512xf32, #tpu.memory_space<vmem>>, vector<64x512xf32>
    %get3A_15 = arith.constant 0 : index
    %get3A_16 = arith.constant 0 : index
    %get3A_17 = arith.constant 0 : index
    %get3A_18 = vector.load %arg1[%get3A_15, %get3A_16, %get3A_17] : memref<4x1024x128xf32, #tpu.memory_space<vmem>>, vector<1x1024x128xf32>
    %get3A_19 = vector.shape_cast %get3A_18 : vector<1x1024x128xf32> to vector<1024x128xf32>
    %get3A_20 = arith.constant 0 : index
    %get3A_21 = arith.constant 0 : index
    %get3A_22 = arith.constant 0 : index
    %get3A_23 = vector.load %arg2[%get3A_20, %get3A_21, %get3A_22] : memref<4x1024x128xf32, #tpu.memory_space<vmem>>, vector<1x1024x128xf32>
    %get3A_24 = vector.shape_cast %get3A_23 : vector<1x1024x128xf32> to vector<1024x128xf32>
    %add3A_25 = arith.addf %get3A_19, %get3A_24 : vector<1024x128xf32>
    %mul3A = vector.broadcast %rsqrt3A : vector<1024x1xf32> to vector<1024x128xf32>
    %mul3A_26 = arith.mulf %mul3A, %add3A_25 : vector<1024x128xf32>
    %max3A = arith.constant 0.000000e+00 : f32
    %max3A_27 = vector.broadcast %max3A : f32 to vector<1024x128xf32>
    %max3A_28 = arith.maximumf %mul3A_26, %max3A_27 : vector<1024x128xf32>
    %slice3A = vector.extract_strided_slice %get3A_14 {offsets = [0, 0], sizes = [64, 128], strides = [1, 1]} : vector<64x512xf32> to vector<64x128xf32>
    %dot_general3A = arith.constant dense<0.000000e+00> : vector<1024x64xf32>
    %dot_general3A_29 = tpu.matmul %max3A_28, %slice3A, %dot_general3A {dimension_numbers = #tpu.dot_dimension_numbers<[1], [1], [0], [0], [0, 0, 1, 0], [], []>, transpose_lhs_hint = false} : vector<1024x128xf32>, vector<64x128xf32>, vector<1024x64xf32> -> vector<1024x64xf32>
    %get3A_30 = arith.constant 1 : index
    %get3A_31 = arith.constant 0 : index
    %get3A_32 = arith.constant 0 : index
    %get3A_33 = vector.load %arg1[%get3A_30, %get3A_31, %get3A_32] : memref<4x1024x128xf32, #tpu.memory_space<vmem>>, vector<1x1024x128xf32>
    %get3A_34 = vector.shape_cast %get3A_33 : vector<1x1024x128xf32> to vector<1024x128xf32>
    %get3A_35 = arith.constant 1 : index
    %get3A_36 = arith.constant 0 : index
    %get3A_37 = arith.constant 0 : index
    %get3A_38 = vector.load %arg2[%get3A_35, %get3A_36, %get3A_37] : memref<4x1024x128xf32, #tpu.memory_space<vmem>>, vector<1x1024x128xf32>
    %get3A_39 = vector.shape_cast %get3A_38 : vector<1x1024x128xf32> to vector<1024x128xf32>
    %add3A_40 = arith.addf %get3A_34, %get3A_39 : vector<1024x128xf32>
    %mul3A_41 = vector.broadcast %rsqrt3A : vector<1024x1xf32> to vector<1024x128xf32>
    %mul3A_42 = arith.mulf %mul3A_41, %add3A_40 : vector<1024x128xf32>
    %max3A_43 = arith.constant 0.000000e+00 : f32
    %max3A_44 = vector.broadcast %max3A_43 : f32 to vector<1024x128xf32>
    %max3A_45 = arith.maximumf %mul3A_42, %max3A_44 : vector<1024x128xf32>
    %slice3A_46 = vector.extract_strided_slice %get3A_14 {offsets = [0, 128], sizes = [64, 128], strides = [1, 1]} : vector<64x512xf32> to vector<64x128xf32>
    %dot_general3A_47 = arith.constant dense<0.000000e+00> : vector<1024x64xf32>
    %dot_general3A_48 = tpu.matmul %max3A_45, %slice3A_46, %dot_general3A_47 {dimension_numbers = #tpu.dot_dimension_numbers<[1], [1], [0], [0], [0, 0, 1, 0], [], []>, transpose_lhs_hint = false} : vector<1024x128xf32>, vector<64x128xf32>, vector<1024x64xf32> -> vector<1024x64xf32>
    %add3A_49 = arith.addf %dot_general3A_29, %dot_general3A_48 : vector<1024x64xf32>
    %get3A_50 = arith.constant 2 : index
    %get3A_51 = arith.constant 0 : index
    %get3A_52 = arith.constant 0 : index
    %get3A_53 = vector.load %arg1[%get3A_50, %get3A_51, %get3A_52] : memref<4x1024x128xf32, #tpu.memory_space<vmem>>, vector<1x1024x128xf32>
    %get3A_54 = vector.shape_cast %get3A_53 : vector<1x1024x128xf32> to vector<1024x128xf32>
    %get3A_55 = arith.constant 2 : index
    %get3A_56 = arith.constant 0 : index
    %get3A_57 = arith.constant 0 : index
    %get3A_58 = vector.load %arg2[%get3A_55, %get3A_56, %get3A_57] : memref<4x1024x128xf32, #tpu.memory_space<vmem>>, vector<1x1024x128xf32>
    %get3A_59 = vector.shape_cast %get3A_58 : vector<1x1024x128xf32> to vector<1024x128xf32>
    %add3A_60 = arith.addf %get3A_54, %get3A_59 : vector<1024x128xf32>
    %mul3A_61 = vector.broadcast %rsqrt3A : vector<1024x1xf32> to vector<1024x128xf32>
    %mul3A_62 = arith.mulf %mul3A_61, %add3A_60 : vector<1024x128xf32>
    %max3A_63 = arith.constant 0.000000e+00 : f32
    %max3A_64 = vector.broadcast %max3A_63 : f32 to vector<1024x128xf32>
    %max3A_65 = arith.maximumf %mul3A_62, %max3A_64 : vector<1024x128xf32>
    %slice3A_66 = vector.extract_strided_slice %get3A_14 {offsets = [0, 256], sizes = [64, 128], strides = [1, 1]} : vector<64x512xf32> to vector<64x128xf32>
    %dot_general3A_67 = arith.constant dense<0.000000e+00> : vector<1024x64xf32>
    %dot_general3A_68 = tpu.matmul %max3A_65, %slice3A_66, %dot_general3A_67 {dimension_numbers = #tpu.dot_dimension_numbers<[1], [1], [0], [0], [0, 0, 1, 0], [], []>, transpose_lhs_hint = false} : vector<1024x128xf32>, vector<64x128xf32>, vector<1024x64xf32> -> vector<1024x64xf32>
    %add3A_69 = arith.addf %add3A_49, %dot_general3A_68 : vector<1024x64xf32>
    %get3A_70 = arith.constant 3 : index
    %get3A_71 = arith.constant 0 : index
    %get3A_72 = arith.constant 0 : index
    %get3A_73 = vector.load %arg1[%get3A_70, %get3A_71, %get3A_72] : memref<4x1024x128xf32, #tpu.memory_space<vmem>>, vector<1x1024x128xf32>
    %get3A_74 = vector.shape_cast %get3A_73 : vector<1x1024x128xf32> to vector<1024x128xf32>
    %get3A_75 = arith.constant 3 : index
    %get3A_76 = arith.constant 0 : index
    %get3A_77 = arith.constant 0 : index
    %get3A_78 = vector.load %arg2[%get3A_75, %get3A_76, %get3A_77] : memref<4x1024x128xf32, #tpu.memory_space<vmem>>, vector<1x1024x128xf32>
    %get3A_79 = vector.shape_cast %get3A_78 : vector<1x1024x128xf32> to vector<1024x128xf32>
    %add3A_80 = arith.addf %get3A_74, %get3A_79 : vector<1024x128xf32>
    %mul3A_81 = vector.broadcast %rsqrt3A : vector<1024x1xf32> to vector<1024x128xf32>
    %mul3A_82 = arith.mulf %mul3A_81, %add3A_80 : vector<1024x128xf32>
    %max3A_83 = arith.constant 0.000000e+00 : f32
    %max3A_84 = vector.broadcast %max3A_83 : f32 to vector<1024x128xf32>
    %max3A_85 = arith.maximumf %mul3A_82, %max3A_84 : vector<1024x128xf32>
    %slice3A_86 = vector.extract_strided_slice %get3A_14 {offsets = [0, 384], sizes = [64, 128], strides = [1, 1]} : vector<64x512xf32> to vector<64x128xf32>
    %dot_general3A_87 = arith.constant dense<0.000000e+00> : vector<1024x64xf32>
    %dot_general3A_88 = tpu.matmul %max3A_85, %slice3A_86, %dot_general3A_87 {dimension_numbers = #tpu.dot_dimension_numbers<[1], [1], [0], [0], [0, 0, 1, 0], [], []>, transpose_lhs_hint = false} : vector<1024x128xf32>, vector<64x128xf32>, vector<1024x64xf32> -> vector<1024x64xf32>
    %add3A_89 = arith.addf %add3A_69, %dot_general3A_88 : vector<1024x64xf32>
    %get3A_90 = arith.constant 0 : index
    %get3A_91 = arith.constant 0 : index
    %get3A_92 = vector.load %arg4[%get3A_90, %get3A_91] : memref<1x64xf32, #tpu.memory_space<vmem>>, vector<1x64xf32>
    %add3A_93 = vector.broadcast %get3A_92 : vector<1x64xf32> to vector<1024x64xf32>
    %add3A_94 = arith.addf %add3A_89, %add3A_93 : vector<1024x64xf32>
    %swap3A = arith.constant 0 : index
    %swap3A_95 = arith.constant 0 : index
    %swap3A_96 = vector.load %arg6[%swap3A, %swap3A_95] : memref<1024x64xf32, #tpu.memory_space<vmem>>, vector<1024x64xf32>
    tpu.vector_store %arg6[%swap3A, %swap3A_95], %add3A_94 {strides = array<i32>} : memref<1024x64xf32, #tpu.memory_space<vmem>>, vector<1024x64xf32>,
    return
  }
  func.func @transform_0(%arg0: i32) -> (i32, i32, i32) {
    %c0_i32 = arith.constant 0 : i32
    %c0_i32_0 = arith.constant 0 : i32
    %c0_i32_1 = arith.constant 0 : i32
    return %c0_i32, %arg0, %c0_i32_0 : i32, i32, i32
  }
  func.func @transform_1(%arg0: i32) -> (i32, i32, i32) {
    %c0_i32 = arith.constant 0 : i32
    %c0_i32_0 = arith.constant 0 : i32
    %c0_i32_1 = arith.constant 0 : i32
    return %c0_i32, %arg0, %c0_i32_0 : i32, i32, i32
  }
  func.func @transform_2(%arg0: i32) -> (i32, i32) {
    %c0_i32 = arith.constant 0 : i32
    %c0_i32_0 = arith.constant 0 : i32
    %c0_i32_1 = arith.constant 0 : i32
    return %c0_i32, %c0_i32_0 : i32, i32
  }
  func.func @transform_3(%arg0: i32) -> (i32, i32) {
    %c0_i32 = arith.constant 0 : i32
    %c0_i32_0 = arith.constant 0 : i32
    %c0_i32_1 = arith.constant 0 : i32
    return %c0_i32, %c0_i32_0 : i32, i32
  }
  func.func @transform_4(%arg0: i32) -> (i32, i32, i32) {
    %c0_i32 = arith.constant 0 : i32
    %c0_i32_0 = arith.constant 0 : i32
    %c0_i32_1 = arith.constant 0 : i32
    return %c0_i32, %arg0, %c0_i32_0 : i32, i32, i32
  }
  func.func @transform_5(%arg0: i32) -> (i32, i32) {
    %c0_i32 = arith.constant 0 : i32
    %c0_i32_0 = arith.constant 0 : i32
    return %arg0, %c0_i32 : i32, i32
  }
}

</mosaic_0001>

<sc_bundles>
// kernel: kernel.11.cloned.1.call-start
scs
__scs_entry_jumppad:
0x0: {  	(pc) =	sbr.rel $0x88, $3  }
0x1: {  	(tag) =	ssettag $0x0;
	lr =	simm.s32 $0x1  }
0x2: {  	[smem:$0x3F99] =	sst lr;
	_ =	strace $0xD0000000  }
0x3: {  	_ = 	snop  }
0x4: {  	_ = 	snop  }
0x5: {  	_ = 	snop  }
0x6: {  	_ = 	snop  }
0x7: {  	_ = 	snop  }
__scs_overlays_trampoline_lowered:
0x8: {  	[smem:$0x3FA8] =	sst s0  }
0x9: {  	[smem:$0x3FA9] =	sst s1  }
0xa: {  	[smem:$0x3FAA] =	sst s2  }
0xb: {  	[smem:$0x3FAB] =	sst s3  }
0xc: {  	[smem:$0x3FAC] =	sst s4  }
0xd: {  	[smem:$0x3FAD] =	sst s5  }
0xe: {  	[smem:$0x3FAE] =	sst s6  }
0xf: {  	[smem:$0x3FAF] =	sst s7  }
0x10: {  	[smem:$0x3FB0] =	sst s8  }
0x11: {  	[smem:$0x3FB1] =	sst s9;
	s0 =	simm.s32 @!p0 $0x0  }
0x12: {  	s1 =	sld [smem:$0x3F97];
	s0 =	simm.s32 @p0 $0x1  }
0x13: {  	[smem:$0x3FB2] =	sst s0;
	s0 =	simm.s32 @!p1 $0x0  }
0x14: {  	s2 =	sld [smem:$0x3F96];
	s0 =	simm.s32 @p1 $0x1  }
0x15: {  	[smem:$0x3FB3] =	sst s0;
	s0 =	simm.s32 @!p2 $0x0  }
0x16: {  	s3 =	sld [smem:$0x3FDB];
	s0 =	simm.s32 @p2 $0x1  }
0x17: {  	s4 =	simm.s32 $0x1BF5;
	[smem:$0x3FB5] =	sst s0  }
0x18: {  	s0 =	sld [smem:$0x3F98];
	_ =	swait.ge [sflag:s4], $0x0  }
0x19: {  	s7 =	sld [smem:$0x3F99]  }
0x1a: {  	s8 =	sadd.s32 $0xFFFFE003, lr  }
0x1b: {  	s9 =	sadd.s32 $0xFFFFFEF7, lr;
	s5 =	simm.s32 $0xFFFFFFFF;
	p2 =	slt.u32 s8, $0xFFFFF086  }
0x1c: {  	p1 =	slt.u32 s9, $0xF7A;
	s5 =	simm.s32 @!p2 $0x0  }
0x1d: {  	s5 =	simm.s32 @p1 $0x1;
	p0 =	seq.s32 s7, s2  }
0x1e: {  	s7 =	smul.u32 @!p0 $0xF7A, s2;
	p2 =	seq.s32 @!p0 s5, $0x0  }
0x1f: {  	s9 =	smul.u32 $0xF7A, s1;
	s8 =	simm.s32 @!p0 $0x1BF5;
	p2 =	por !p2, p0  }
0x20: {  	[sflag:s8] =	ssyncset.s32 @!p0 $0xFFFFF086;
	s6 =	sadd.s32 @!p0 s3, s7;
	s7 =	simm.s32 @!p0 $0x108  }
0x21: {  	s3 =	sadd.s32 s3, s9;
	s6 =	sadd.s32 @!p0 $0x88, s6;
	s7 =	simm.s32 @p2 $0x1082  }
0x22: {  	[simem:s7], [sflag:s8] =	dma.local @!p0 [hbm:s6], $0xF7A  }
0x23: {  	s9 =	sor.u32 $0xD0000000, s2;
	s6 =	simm.s32 $0x108;
	_ =	swait.ge @!p0 [sflag:s8], $0x0  }
0x24: {  	s3 =	sadd.s32 $0x88, s3;
	s6 =	simm.s32 @!p1 $0x1082;
	[sflag:s4] =	ssyncset.s32 $0xFFFFF086  }
0x25: {  	[simem:s6], [sflag:s4] =	dma.local [hbm:s3], $0xF7A  }
0x26: {  	[smem:$0x3F99] =	sst s1;
	(tag) =	ssettag s2;
	_ =	strace s9  }
0x27: {  	s1 =	sld [smem:$0x3FA9]  }
0x28: {  	s2 =	sld [smem:$0x3FAA]  }
0x29: {  	s4 =	sld [smem:$0x3FAC]  }
0x2a: {  	p0 =	seq.s32 s5, $0x0;
	s5 =	sld [smem:$0x3FAD]  }
0x2b: {  	s6 =	sld [smem:$0x3FAE]  }
0x2c: {  	s7 =	sld [smem:$0x3FAF]  }
0x2d: {  	s3 =	simm.s32 $0x108;
	s8 =	sld [smem:$0x3FB0]  }
0x2e: {  	s3 =	simm.s32 @!p0 $0x1082;
	s9 =	sld [smem:$0x3FB1]  }
0x2f: {  	lr =	sadd.s32 s0, s3;
	s0 =	sld [smem:$0x3FA8]  }
0x30: {  	s3 =	sld [smem:$0x3FAB]  }
0x31: {  	[smem:$0x3FB4] =	sst s10  }
0x32: {  	s10 =	sld [smem:$0x3FB2];
	_ =	sdelay $0x3  }
0x33: {  	p0 =	seq.s32 s10, $0x1;
	s10 =	sld [smem:$0x3FB4];
	_ =	sdelay $0x3  }
0x34: {  	[smem:$0x3FB4] =	sst s10  }
0x35: {  	s10 =	sld [smem:$0x3FB3];
	_ =	sdelay $0x3  }
0x36: {  	p1 =	seq.s32 s10, $0x1;
	s10 =	sld [smem:$0x3FB4];
	_ =	sdelay $0x3  }
0x37: {  	[smem:$0x3FB4] =	sst s10  }
0x38: {  	s10 =	sld [smem:$0x3FB5]  }
0x39: {  	_ = 	snop;
	(pc) =	sbr.ind lr, $3  }
0x3a: {  	_ = 	snop  }
0x3b: {  	_ = 	snop  }
0x3c: {  	p2 =	seq.s32 s10, $0x1;
	s10 =	sld [smem:$0x3FB4]  }
0x3d: {  	_ =	shalt  }
0x3e: {  	_ =	shalt  }
0x3f: {  	_ =	shalt  }
0x40: {  	_ =	shalt  }
0x41: {  	_ =	shalt  }
0x42: {  	_ =	shalt  }
0x43: {  	_ =	shalt  }
0x44: {  	_ =	shalt  }
0x45: {  	_ =	shalt  }
0x46: {  	_ =	shalt  }
0x47: {  	_ =	shalt  }
0x48: {  	_ =	shalt  }
0x49: {  	_ =	shalt  }
0x4a: {  	_ =	shalt  }
0x4b: {  	_ =	shalt  }
0x4c: {  	_ =	shalt  }
0x4d: {  	_ =	shalt  }
0x4e: {  	_ =	shalt  }
0x4f: {  	_ =	shalt  }
0x50: {  	_ =	shalt  }
0x51: {  	_ =	shalt  }
0x52: {  	_ =	shalt  }
0x53: {  	_ =	shalt  }
0x54: {  	_ =	shalt  }
0x55: {  	_ =	shalt  }
0x56: {  	_ =	shalt  }
0x57: {  	_ =	shalt  }
0x58: {  	_ =	shalt  }
0x59: {  	_ =	shalt  }
0x5a: {  	_ =	shalt  }
0x5b: {  	_ =	shalt  }
0x5c: {  	_ =	shalt  }
0x5d: {  	_ =	shalt  }
0x5e: {  	_ =	shalt  }
0x5f: {  	_ =	shalt  }
0x60: {  	_ =	shalt  }
0x61: {  	_ =	shalt  }
0x62: {  	_ =	shalt  }
0x63: {  	_ =	shalt  }
0x64: {  	_ =	shalt  }
0x65: {  	_ =	shalt  }
0x66: {  	_ =	shalt  }
0x67: {  	_ =	shalt  }
0x68: {  	_ =	shalt  }
0x69: {  	_ =	shalt  }
0x6a: {  	_ =	shalt  }
0x6b: {  	_ =	shalt  }
0x6c: {  	_ =	shalt  }
0x6d: {  	_ =	shalt  }
0x6e: {  	_ =	shalt  }
0x6f: {  	_ =	shalt  }
0x70: {  	_ =	shalt  }
0x71: {  	_ =	shalt  }
0x72: {  	_ =	shalt  }
0x73: {  	_ =	shalt  }
0x74: {  	_ =	shalt  }
0x75: {  	_ =	shalt  }
0x76: {  	_ =	shalt  }
0x77: {  	_ =	shalt  }
0x78: {  	_ =	shalt  }
0x79: {  	_ =	shalt  }
0x7a: {  	_ =	shalt  }
0x7b: {  	_ =	shalt  }
0x7c: {  	_ =	shalt  }
0x7d: {  	_ =	shalt  }
0x7e: {  	_ =	shalt  }
0x7f: {  	_ =	shalt  }
0x80: {  	_ =	shalt  }
0x81: {  	_ =	shalt  }
0x82: {  	_ =	shalt  }
0x83: {  	_ =	shalt  }
0x84: {  	_ =	shalt  }
0x85: {  	_ =	shalt  }
0x86: {  	_ =	shalt  }
0x87: {  	_ =	shalt  }
.Lfunc_end0:
.L_simem_size_0:
called_computation.1_lowered:
.L_overlay_start_0:
0x88: {  	s2 =	sld [smem:$0x3FD9]  }
0x89: {  	s3 =	sld [smem:$0x3FFE];
	_ =	sdelay $0x1  }
0x8a: {  	s1 =	srdreg.scid  }
0x8b: {  	s0 =	sand.u32 $0x1, s1  }
0x8c: {  	s17 =	sshll.u32 s0, $0xA;
	s2 =	sadd.s32 s3, s2  }
0x8d: {  	s2 =	sadd.s32 s2, s17  }
0x8e: {  	[smem:$0x3FC0] =	sst s2  }
0x8f: {  	_ = 	snop  }
0x90: {  	s2 =	sld [smem:$0x3FD0];
	(tm) =	ssettm $0x1  }
0x91: {  	s18 =	sld [smem:$0x3FFB];
	_ =	sdelay $0x3  }
0x92: {  	_ =	strace s18  }
0x93: {  	s3 =	sld [smem:$0x3FFC];
	_ =	sdelay $0x3  }
0x94: {  	_ =	strace s3  }
0x95: {  	s3 =	sld [smem:$0x3FFD];
	_ =	sdelay $0x3  }
0x96: {  	_ =	strace s3  }
0x97: {  	_ =	strace $0x8FFFFFFF  }
0x98: {  	s19 =	sld [smem:$0x3FDB];
	_ =	sdelay $0x1  }
0x99: {  	s4 =	simm.s32 $_scs_section_size  }
0x9a: {  	s5 =	simm.s32 $_size__tile_overlayer_lowered;
	s6 =	simm.s32 $_tile_overlayer_lowered  }
0x9b: {  	s22 =	simm.s32 $0x1BFF;
	s21 =	sshll.u32 s6, $0x1;
	s3 =	sadd.s32 s4, s19  }
0x9c: {  	s7 =	simm.s32 $0x0;
	s20 =	sshll.u32 s5, $0x1;
	s5 =	sadd.s32 s21, s3  }
0x9d: {  	[timem:s7], [sflag:s22] =	dma.local [hbm:s5], s20  }
0x9e: {  	_ =	swait.ge [sflag:s22], s20  }
0x9f: {  	s4 =	ssub.s32 $0x0, s20;
	[sflag:s22] =	ssyncset.done $0x0  }
0xa0: {  	[sflag:s22] =	ssyncadd.s32 s4;
	_ =	sdelay $0x1  }
0xa1: {  	s23 =	simm.s32 $0x1B8B  }
0xa2: {  	_ =	swait.ge [sflag:s23], $0x1  }
0xa3: {  	[sflag:s23] =	ssyncset.done $0x0  }
0xa4: {  	s25 =	simm.s32 $0x1B8E;
	s24 =	sld [smem:$0x3FFE];
	[sflag:s23] =	ssyncadd.s32 $0xFFFFFFFF  }
0xa5: {  	s26 =	simm.s32 $execute0_lowered;
	[smem:$0x3FD2] =	sst s25  }
0xa6: {  	s5 =	sshll.u32 s26, $0x1;
	_ =	strace $0x80000049;
	[dreg:$0x1] =	wrdreg $0xFFFFFFFF  }
0xa7: {  	s28 =	simm.s32 $_size_execute0_lowered;
	s3 =	sadd.s32 s3, s5;
	[dreg:$0x0] =	wrdreg $0x0  }
0xa8: {  	s5 =	sshll.u32 s28, $0x1;
	[dreg:$0x2] =	wrdreg s3  }
0xa9: {  	[dreg:$0x3] =	wrdreg s5  }
0xaa: {  	[dreg:$0x4] =	wrdreg $0xC0  }
0xab: {  	_ =	task [dreg:s7], $0x5FFFF  }
0xac: {  	[dreg:$0x1] =	wrdreg $0xFFFFFFFF  }
0xad: {  	[dreg:$0x0] =	wrdreg $0x60  }
0xae: {  	[dreg:$0x2] =	wrdreg s24  }
0xaf: {  	[dreg:$0x3] =	wrdreg s2  }
0xb0: {  	[dreg:$0x4] =	wrdreg $0x90000  }
0xb1: {  	[dreg:$0x5] =	wrdreg $0x9  }
0xb2: {  	_ =	task.clear_ibuf [dreg:s7], $0x6FFFF;
	_ =	strace $0x90000049  }
0xb3: {  	s29 =	simm.s32 $0x9;
	_ =	strace $0x8000004B  }
0xb4: {  	_ =	swait.ge [sflag:s29], $0x1  }
0xb5: {  	[sflag:s29] =	ssyncadd.s32 $0xFFFFFFFF  }
0xb6: {  	_ =	strace $0x9000004B  }
0xb7: {  	_ =	sfence  }
0xb8: {  	s30 =	sld [smem:$0x0];
	_ =	sdelay $0x2  }
0xb9: {  	s31 =	sshll.u32 s1, $0xD;
	s1 =	sshrl.u32 s1, $0x2  }
0xba: {  	s3 =	sand.u32 $0x4000, s31;
	s1 =	sadd.s32 s1, s30  }
0xbb: {  	s0 =	sor.u32 s3, s0;
	s1 =	sshll.u32 s1, $0x11  }
0xbc: {  	s0 =	sor.u32 s1, s0  }
0xbd: {  	s0 =	sadd.s32 $0x8F2B, s0  }
0xbe: {  	[sflag:s0] =	ssyncadd.remote.s32 $0x1  }
0xbf: {  	_ =	sfence.sel $0xFFFF  }
0xc0: {  	[dreg:$0x0] =	wrdreg $0xFFFFFFFF;
	(pc) =	sbr.abs _section_cstart, $3  }
0xc1: {  	[dreg:$0x1] =	wrdreg $0xFFFFFFFF  }
0xc2: {  	_ =	task.clear_ibuf [dreg:s7], $0x2FFFF;
	_ =	strace $0x9FFFFFFF  }
0xc3: {  	(tm) =	ssettm $0x7FFFFFFF  }
tec
execute0_lowered:
.L_overlay_start_1:
0x0: {  	(tag) =	ssettag $0x1  }
0x1: {  	s6 =	rddreg [dreg:$0x0]  }
0x2: {  	s7 =	rddreg [dreg:$0x1]  }
0x3: {  	s1 =	rddreg [dreg:$0x2];
	s2 =	srdreg.scid  }
0x4: {  	s0 =	rddreg [dreg:$0x3];
	s3 =	simm.s32 $0x0;
	s17 =	simm.s32 $0x5000  }
0x5: {  	s18 =	simm.s32 $0x0;
	s8 =	sand.u32 $0x1, s2;
	s2 =	stileid.u32  }
0x6: {  	[smem:$0x7FF] =	sst s3;
	s10 =	sadd.s32 $0x54E00, s6;
	s9 =	smul.u32 $0x500, s2  }
0x7: {  	s14 =	sadd.s32 $0x108E00, s6;
	s4 =	sshll.u32 s8, $0x5;
	s13 =	smul.u32 $0x280, s2  }
0x8: {  	_ =	strace $0x8000004A;
	s12 =	ssub.s32 $0x2, s8;
	s15 =	smul.u32 $0x50000, s2  }
0x9: {  	s16 =	smul.u32 $0x5000, s8;
	s8 =	sshllo.u32 s8, $0x1;
	s31 =	sshll.u32 s2, $0x6  }
0xa: {  	s5 =	sor.u32 s2, s4;
	s25 =	sshll.u32 s8, $0x4;
	s8 =	smul.u32 $0x2800, s8  }
0xb: {  	s4 =	sadd.s32 $0x68E00, s6;
	s24 =	sshrl.u32 s12, $0x1;
	s11 =	smul.u32 $0x500, s5  }
0xc: {  	s5 =	sadd.s32 $0x2600, s6;
	s12 =	ssub.s32 s12, s24;
	s6 =	sadd.s32 s7, s9  }
0xd: {  	s26 =	sshrl.u32 s15, $0x2;
	s9 =	sor.u32 s2, s25;
	s28 =	sadd.s32 s13, s16  }
0xe: {  	s16 =	simm.s32 $0x80;
	s9 =	smul.u32 $0x500, s9;
	s8 =	sadd.s32 s13, s8  }
0xf: {  	s29 =	sadd.s32 s26, s1;
	s30 =	sshll.u32 s28, $0x4;
	s7 =	sadd.s32 s10, s11  }
0x10: {  	s13 =	sshll.u32 s8, $0x4;
	s8 =	sadd.s32 s14, s30;
	s11 =	smax.u32 s12, $0x1  }
0x11: {  	s12 =	simm.s32 $0x2800;
	s15 =	sshrl.u32 s29, $0x3;
	s9 =	sadd.s32 s10, s9  }
0x12: {  	s10 =	sadd.s32 s14, s13;
	s13 =	simm.s32 $0x1;
	s14 =	sor.u32 $0x1C01, s31  }
.LBB2_1:
0x13: {  	[tilespmem:s12], [sflag:$0x1] =	stream.linear.gather [hbm4b:s6+s3], $0x2800, $0x38;
	[tilespmem:$0x1D000] =	vst v63  }
0x14: {  	_ =	swait.ge [sflag:s13], $0x2800  }
0x15: {  	[sflag:s13] =	ssyncset.done $0x0  }
0x16: {  	[sflag:s13] =	ssyncadd.s32 $0xFFFFD800  }
0x17: {  	[tilespmem:s3], [sflag:$0x1] =	stream.linear.gather [hbm4b:s7+s3], $0x2800, $0x38;
	[tilespmem:$0x1D000] =	vst v63  }
0x18: {  	_ =	swait.ge [sflag:s13], $0x2800  }
0x19: {  	[sflag:s13] =	ssyncset.done $0x0  }
0x1a: {  	[sflag:s13] =	ssyncadd.s32 $0xFFFFD800  }
0x1b: {  	[spmem:s15], [sflag:s14] =	dma.local [hbm:s5], $0x2800  }
0x1c: {  	_ =	swait.ge [sflag:s13], $0x2800  }
0x1d: {  	[sflag:s13] =	ssyncset.done $0x0  }
0x1e: {  	[sflag:s13] =	ssyncadd.s32 $0xFFFFD800  }
0x1f: {  	s19 =	simm.s32 $0x0;
	[bflag:$0x0] =	sbarrier.arrive $0xFFFF  }
0x20: {  	[tilespmem:s17], [sflag:$0x1] =	stream.indirect.gather [hbm4b:s4+s16], $0x80, s19, s16, $0xb8;
	[tilespmem:$0x1D000] =	vst v63  }
0x21: {  	_ =	swait.ge [sflag:s13], $0x4000  }
0x22: {  	[sflag:s13] =	ssyncset.done $0x0  }
0x23: {  	s31 =	simm.s32 $0x2800;
	[sflag:s13] =	ssyncadd.s32 $0xFFFFC000  }
0x24: {  	[spmem:s1] =	stream.indirect.scatter.add.f32 [tilespmem:s17], [sflag:$0x1], $0x80, s31, s16, $0xb8;
	[tilespmem:$0x1D000] =	vst v63  }
0x25: {  	_ =	swait.ge [sflag:s13], $0x4000  }
0x26: {  	s20 =	simm.s32 $0x400;
	s19 =	simm.s32 $0x200;
	[sflag:s13] =	ssyncset.done $0x0  }
.LBB2_2:
0x27: {  	s21 =	sshra.s32 s19, $0x2  }
0x28: {  	[sflag:s13] =	ssyncadd.s32 $0xFFFFC000;
	s19 =	smov.u32 s20;
	s22 =	sadd.s32 $0x200, s20  }
0x29: {  	[tilespmem:s17], [sflag:$0x1] =	stream.indirect.gather [hbm4b:s4+s16], $0x80, s21, s16, $0xb8;
	[tilespmem:$0x1D000] =	vst v63  }
0x2a: {  	p0 =	sne.s32 s20, $0x9E00;
	_ =	swait.ge [sflag:s13], $0x4000  }
.Ltmp0:
0x2b: {  	[sflag:s13] =	ssyncset.done $0x0;
	(pc) =	sbr.rel @p0 .LBB2_2-.Ltmp0, $4  }
0x2c: {  	s20 =	sadd.s32 $0x2800, s21;
	[sflag:s13] =	ssyncadd.s32 $0xFFFFC000  }
0x2d: {  	[spmem:s1] =	stream.indirect.scatter.add.f32 [tilespmem:s17], [sflag:$0x1], $0x80, s20, s16, $0xb8;
	[tilespmem:$0x1D000] =	vst v63  }
0x2e: {  	_ =	swait.ge [sflag:s13], $0x4000  }
0x2f: {  	s20 =	smov.u32 s22;
	[sflag:s13] =	ssyncset.done $0x0  }
0x30: {  	s19 =	sshra.s32 s19, $0x2;
	[sflag:s13] =	ssyncadd.s32 $0xFFFFC000  }
0x31: {  	[tilespmem:s17], [sflag:$0x1] =	stream.indirect.gather [hbm4b:s4+s16], $0x80, s19, s16, $0xb8;
	[tilespmem:$0x1D000] =	vst v63  }
0x32: {  	_ =	swait.ge [sflag:s13], $0x4000  }
0x33: {  	[sflag:s13] =	ssyncset.done $0x0  }
0x34: {  	s19 =	sadd.s32 $0x2800, s19;
	[sflag:s13] =	ssyncadd.s32 $0xFFFFC000  }
0x35: {  	[spmem:s1] =	stream.indirect.scatter.add.f32 [tilespmem:s17], [sflag:$0x1], $0x80, s19, s16, $0xb8;
	[tilespmem:$0x1D000] =	vst v63  }
0x36: {  	_ =	swait.ge [sflag:s13], $0x4000  }
0x37: {  	[sflag:s13] =	ssyncset.done $0x0  }
0x38: {  	[sflag:s13] =	ssyncadd.s32 $0xFFFFC000  }
0x39: {  	[bflag:$0x0] =	sbarrier.arrive $0xFFFF  }
0x3a: {  	[hbm:s8], [sflag:s14] =	dma.local [spmem:s15], $0x2800  }
0x3b: {  	_ =	swait.ge [sflag:s13], $0x2800  }
0x3c: {  	[sflag:s13] =	ssyncset.done $0x0  }
0x3d: {  	s29 =	simm.s32 $0x0;
	[sflag:s13] =	ssyncadd.s32 $0xFFFFD800  }
0x3e: {  	[tilespmem:s29], [sflag:$0x1] =	stream.linear.gather [hbm4b:s9+s29], $0x2800, $0x38;
	[tilespmem:$0x1D000] =	vst v63  }
0x3f: {  	_ =	swait.ge [sflag:s13], $0x2800  }
0x40: {  	[sflag:s13] =	ssyncset.done $0x0  }
0x41: {  	[sflag:s13] =	ssyncadd.s32 $0xFFFFD800  }
0x42: {  	[spmem:s15], [sflag:s14] =	dma.local [hbm:s5], $0x2800  }
0x43: {  	_ =	swait.ge [sflag:s13], $0x2800  }
0x44: {  	[sflag:s13] =	ssyncset.done $0x0  }
0x45: {  	[sflag:s13] =	ssyncadd.s32 $0xFFFFD800  }
0x46: {  	s30 =	simm.s32 $0x0;
	[bflag:$0x0] =	sbarrier.arrive $0xFFFF  }
0x47: {  	[tilespmem:s17], [sflag:$0x1] =	stream.indirect.gather [hbm4b:s4+s16], $0x80, s30, s16, $0xb8;
	[tilespmem:$0x1D000] =	vst v63  }
0x48: {  	_ =	swait.ge [sflag:s13], $0x4000  }
0x49: {  	[sflag:s13] =	ssyncset.done $0x0  }
0x4a: {  	s31 =	simm.s32 $0x2800;
	[sflag:s13] =	ssyncadd.s32 $0xFFFFC000  }
0x4b: {  	[spmem:s1] =	stream.indirect.scatter.add.f32 [tilespmem:s17], [sflag:$0x1], $0x80, s31, s16, $0xb8;
	[tilespmem:$0x1D000] =	vst v63  }
0x4c: {  	_ =	swait.ge [sflag:s13], $0x4000  }
0x4d: {  	s20 =	simm.s32 $0x400;
	s19 =	simm.s32 $0x200;
	[sflag:s13] =	ssyncset.done $0x0  }
.LBB2_4:
0x4e: {  	s21 =	sshra.s32 s19, $0x2  }
0x4f: {  	[sflag:s13] =	ssyncadd.s32 $0xFFFFC000;
	s19 =	smov.u32 s20;
	s22 =	sadd.s32 $0x200, s20  }
0x50: {  	[tilespmem:s17], [sflag:$0x1] =	stream.indirect.gather [hbm4b:s4+s16], $0x80, s21, s16, $0xb8;
	[tilespmem:$0x1D000] =	vst v63  }
0x51: {  	p0 =	sne.s32 s20, $0x9E00;
	_ =	swait.ge [sflag:s13], $0x4000  }
.Ltmp1:
0x52: {  	[sflag:s13] =	ssyncset.done $0x0;
	(pc) =	sbr.rel @p0 .LBB2_4-.Ltmp1, $4  }
0x53: {  	s20 =	sadd.s32 $0x2800, s21;
	[sflag:s13] =	ssyncadd.s32 $0xFFFFC000  }
0x54: {  	[spmem:s1] =	stream.indirect.scatter.add.f32 [tilespmem:s17], [sflag:$0x1], $0x80, s20, s16, $0xb8;
	[tilespmem:$0x1D000] =	vst v63  }
0x55: {  	_ =	swait.ge [sflag:s13], $0x4000  }
0x56: {  	s20 =	smov.u32 s22;
	[sflag:s13] =	ssyncset.done $0x0  }
0x57: {  	s19 =	sshra.s32 s19, $0x2;
	[sflag:s13] =	ssyncadd.s32 $0xFFFFC000  }
0x58: {  	[tilespmem:s17], [sflag:$0x1] =	stream.indirect.gather [hbm4b:s4+s16], $0x80, s19, s16, $0xb8;
	[tilespmem:$0x1D000] =	vst v63  }
0x59: {  	_ =	swait.ge [sflag:s13], $0x4000  }
0x5a: {  	[sflag:s13] =	ssyncset.done $0x0  }
0x5b: {  	s19 =	sadd.s32 $0x2800, s19;
	[sflag:s13] =	ssyncadd.s32 $0xFFFFC000  }
0x5c: {  	[spmem:s1] =	stream.indirect.scatter.add.f32 [tilespmem:s17], [sflag:$0x1], $0x80, s19, s16, $0xb8;
	[tilespmem:$0x1D000] =	vst v63  }
0x5d: {  	_ =	swait.ge [sflag:s13], $0x4000  }
0x5e: {  	s18 =	sadd.s32 $0x1, s18;
	[sflag:s13] =	ssyncset.done $0x0  }
0x5f: {  	p0 =	sne.s32 s18, s11;
	[sflag:s13] =	ssyncadd.s32 $0xFFFFC000  }
.Ltmp2:
0x60: {  	[bflag:$0x0] =	sbarrier.arrive $0xFFFF;
	(pc) =	sbr.rel @p0 .LBB2_1-.Ltmp2, $4  }
0x61: {  	[hbm:s10], [sflag:s14] =	dma.local [spmem:s15], $0x2800  }
0x62: {  	_ =	swait.ge [sflag:s13], $0x2800  }
0x63: {  	[sflag:s13] =	ssyncset.done $0x0  }
0x64: {  	[sflag:s13] =	ssyncadd.s32 $0xFFFFD800  }
0x65: {  	_ =	sfence.sel $0x180000  }
0x66: {  	[bflag:$0x0] =	sbarrier.arrive $0xFFFF  }
0x67: {  	p0 =	sne.s32 s2, $0x0;
	_ =	strace $0x9000004A  }
0x68: {  	s0 =	sadd.s32 @!p0 $0x100000, s0;
	[bflag:$0x2] =	sbarrier.arrive $0xFFFF  }
0x69: {  	[sflag:s0] =	ssyncadd.tile.s32 @!p0 $0x1;
	_ =	shalt  }
.Lfunc_end2:
_tile_overlayer_lowered:
.L_overlay_start_2:
0x6a: {  	(tag) =	ssettag $0x2  }
0x6b: {  	s0 =	rddreg [dreg:$0x0];
	s2 =	stileid.u32  }
0x6c: {  	s1 =	rddreg [dreg:$0x1];
	p0 =	sne.s32 s2, $0x0  }
0x6d: {  	s3 =	rddreg [dreg:$0x2];
	[bflag:$0x3] =	sbarrier.arrive $0xFFFF;
	s2 =	simm.s32 @!p0 $0x1C01  }
0x6e: {  	[timem:s3], [sflag:s2] =	dma.local @!p0 [hbm:s0], s1  }
0x6f: {  	s0 =	simm.s32 @!p0 $0x1  }
0x70: {  	_ =	swait.ge @!p0 [sflag:s0], s1  }
0x71: {  	s1 =	ssub.s32 @!p0 $0x0, s1;
	[sflag:s0] =	ssyncset.done @!p0 $0x0  }
0x72: {  	[sflag:s0] =	ssyncadd.s32 @!p0 s1  }
0x73: {  	[bflag:$0x3] =	sbarrier.arrive $0xFFFF  }
0x74: {  	_ =	shalt  }

// kernel: kernel.14.cloned.1.call-start
scs
__scs_entry_jumppad:
0x0: {  	(pc) =	sbr.rel $0x88, $3  }
0x1: {  	(tag) =	ssettag $0x0;
	lr =	simm.s32 $0x1  }
0x2: {  	[smem:$0x3F99] =	sst lr;
	_ =	strace $0xD0000000  }
0x3: {  	_ = 	snop  }
0x4: {  	_ = 	snop  }
0x5: {  	_ = 	snop  }
0x6: {  	_ = 	snop  }
0x7: {  	_ = 	snop  }
__scs_overlays_trampoline_lowered:
0x8: {  	[smem:$0x3FA8] =	sst s0  }
0x9: {  	[smem:$0x3FA9] =	sst s1  }
0xa: {  	[smem:$0x3FAA] =	sst s2  }
0xb: {  	[smem:$0x3FAB] =	sst s3  }
0xc: {  	[smem:$0x3FAC] =	sst s4  }
0xd: {  	[smem:$0x3FAD] =	sst s5  }
0xe: {  	[smem:$0x3FAE] =	sst s6  }
0xf: {  	[smem:$0x3FAF] =	sst s7  }
0x10: {  	[smem:$0x3FB0] =	sst s8  }
0x11: {  	[smem:$0x3FB1] =	sst s9;
	s0 =	simm.s32 @!p0 $0x0  }
0x12: {  	s1 =	sld [smem:$0x3F97];
	s0 =	simm.s32 @p0 $0x1  }
0x13: {  	[smem:$0x3FB2] =	sst s0;
	s0 =	simm.s32 @!p1 $0x0  }
0x14: {  	s2 =	sld [smem:$0x3F96];
	s0 =	simm.s32 @p1 $0x1  }
0x15: {  	[smem:$0x3FB3] =	sst s0;
	s0 =	simm.s32 @!p2 $0x0  }
0x16: {  	s3 =	sld [smem:$0x3FDB];
	s0 =	simm.s32 @p2 $0x1  }
0x17: {  	s4 =	simm.s32 $0x1BF5;
	[smem:$0x3FB5] =	sst s0  }
0x18: {  	s0 =	sld [smem:$0x3F98];
	_ =	swait.ge [sflag:s4], $0x0  }
0x19: {  	s7 =	sld [smem:$0x3F99]  }
0x1a: {  	s8 =	sadd.s32 $0xFFFFE003, lr  }
0x1b: {  	s9 =	sadd.s32 $0xFFFFFEF7, lr;
	s5 =	simm.s32 $0xFFFFFFFF;
	p2 =	slt.u32 s8, $0xFFFFF086  }
0x1c: {  	p1 =	slt.u32 s9, $0xF7A;
	s5 =	simm.s32 @!p2 $0x0  }
0x1d: {  	s5 =	simm.s32 @p1 $0x1;
	p0 =	seq.s32 s7, s2  }
0x1e: {  	s7 =	smul.u32 @!p0 $0xF7A, s2;
	p2 =	seq.s32 @!p0 s5, $0x0  }
0x1f: {  	s9 =	smul.u32 $0xF7A, s1;
	s8 =	simm.s32 @!p0 $0x1BF5;
	p2 =	por !p2, p0  }
0x20: {  	[sflag:s8] =	ssyncset.s32 @!p0 $0xFFFFF086;
	s6 =	sadd.s32 @!p0 s3, s7;
	s7 =	simm.s32 @!p0 $0x108  }
0x21: {  	s3 =	sadd.s32 s3, s9;
	s6 =	sadd.s32 @!p0 $0x88, s6;
	s7 =	simm.s32 @p2 $0x1082  }
0x22: {  	[simem:s7], [sflag:s8] =	dma.local @!p0 [hbm:s6], $0xF7A  }
0x23: {  	s9 =	sor.u32 $0xD0000000, s2;
	s6 =	simm.s32 $0x108;
	_ =	swait.ge @!p0 [sflag:s8], $0x0  }
0x24: {  	s3 =	sadd.s32 $0x88, s3;
	s6 =	simm.s32 @!p1 $0x1082;
	[sflag:s4] =	ssyncset.s32 $0xFFFFF086  }
0x25: {  	[simem:s6], [sflag:s4] =	dma.local [hbm:s3], $0xF7A  }
0x26: {  	[smem:$0x3F99] =	sst s1;
	(tag) =	ssettag s2;
	_ =	strace s9  }
0x27: {  	s1 =	sld [smem:$0x3FA9]  }
0x28: {  	s2 =	sld [smem:$0x3FAA]  }
0x29: {  	s4 =	sld [smem:$0x3FAC]  }
0x2a: {  	p0 =	seq.s32 s5, $0x0;
	s5 =	sld [smem:$0x3FAD]  }
0x2b: {  	s6 =	sld [smem:$0x3FAE]  }
0x2c: {  	s7 =	sld [smem:$0x3FAF]  }
0x2d: {  	s3 =	simm.s32 $0x108;
	s8 =	sld [smem:$0x3FB0]  }
0x2e: {  	s3 =	simm.s32 @!p0 $0x1082;
	s9 =	sld [smem:$0x3FB1]  }
0x2f: {  	lr =	sadd.s32 s0, s3;
	s0 =	sld [smem:$0x3FA8]  }
0x30: {  	s3 =	sld [smem:$0x3FAB]  }
0x31: {  	[smem:$0x3FB4] =	sst s10  }
0x32: {  	s10 =	sld [smem:$0x3FB2];
	_ =	sdelay $0x3  }
0x33: {  	p0 =	seq.s32 s10, $0x1;
	s10 =	sld [smem:$0x3FB4];
	_ =	sdelay $0x3  }
0x34: {  	[smem:$0x3FB4] =	sst s10  }
0x35: {  	s10 =	sld [smem:$0x3FB3];
	_ =	sdelay $0x3  }
0x36: {  	p1 =	seq.s32 s10, $0x1;
	s10 =	sld [smem:$0x3FB4];
	_ =	sdelay $0x3  }
0x37: {  	[smem:$0x3FB4] =	sst s10  }
0x38: {  	s10 =	sld [smem:$0x3FB5]  }
0x39: {  	_ = 	snop;
	(pc) =	sbr.ind lr, $3  }
0x3a: {  	_ = 	snop  }
0x3b: {  	_ = 	snop  }
0x3c: {  	p2 =	seq.s32 s10, $0x1;
	s10 =	sld [smem:$0x3FB4]  }
0x3d: {  	_ =	shalt  }
0x3e: {  	_ =	shalt  }
0x3f: {  	_ =	shalt  }
0x40: {  	_ =	shalt  }
0x41: {  	_ =	shalt  }
0x42: {  	_ =	shalt  }
0x43: {  	_ =	shalt  }
0x44: {  	_ =	shalt  }
0x45: {  	_ =	shalt  }
0x46: {  	_ =	shalt  }
0x47: {  	_ =	shalt  }
0x48: {  	_ =	shalt  }
0x49: {  	_ =	shalt  }
0x4a: {  	_ =	shalt  }
0x4b: {  	_ =	shalt  }
0x4c: {  	_ =	shalt  }
0x4d: {  	_ =	shalt  }
0x4e: {  	_ =	shalt  }
0x4f: {  	_ =	shalt  }
0x50: {  	_ =	shalt  }
0x51: {  	_ =	shalt  }
0x52: {  	_ =	shalt  }
0x53: {  	_ =	shalt  }
0x54: {  	_ =	shalt  }
0x55: {  	_ =	shalt  }
0x56: {  	_ =	shalt  }
0x57: {  	_ =	shalt  }
0x58: {  	_ =	shalt  }
0x59: {  	_ =	shalt  }
0x5a: {  	_ =	shalt  }
0x5b: {  	_ =	shalt  }
0x5c: {  	_ =	shalt  }
0x5d: {  	_ =	shalt  }
0x5e: {  	_ =	shalt  }
0x5f: {  	_ =	shalt  }
0x60: {  	_ =	shalt  }
0x61: {  	_ =	shalt  }
0x62: {  	_ =	shalt  }
0x63: {  	_ =	shalt  }
0x64: {  	_ =	shalt  }
0x65: {  	_ =	shalt  }
0x66: {  	_ =	shalt  }
0x67: {  	_ =	shalt  }
0x68: {  	_ =	shalt  }
0x69: {  	_ =	shalt  }
0x6a: {  	_ =	shalt  }
0x6b: {  	_ =	shalt  }
0x6c: {  	_ =	shalt  }
0x6d: {  	_ =	shalt  }
0x6e: {  	_ =	shalt  }
0x6f: {  	_ =	shalt  }
0x70: {  	_ =	shalt  }
0x71: {  	_ =	shalt  }
0x72: {  	_ =	shalt  }
0x73: {  	_ =	shalt  }
0x74: {  	_ =	shalt  }
0x75: {  	_ =	shalt  }
0x76: {  	_ =	shalt  }
0x77: {  	_ =	shalt  }
0x78: {  	_ =	shalt  }
0x79: {  	_ =	shalt  }
0x7a: {  	_ =	shalt  }
0x7b: {  	_ =	shalt  }
0x7c: {  	_ =	shalt  }
0x7d: {  	_ =	shalt  }
0x7e: {  	_ =	shalt  }
0x7f: {  	_ =	shalt  }
0x80: {  	_ =	shalt  }
0x81: {  	_ =	shalt  }
0x82: {  	_ =	shalt  }
0x83: {  	_ =	shalt  }
0x84: {  	_ =	shalt  }
0x85: {  	_ =	shalt  }
0x86: {  	_ =	shalt  }
0x87: {  	_ =	shalt  }
.Lfunc_end0:
.L_simem_size_0:
called_computation.2_lowered:
.L_overlay_start_0:
0x88: {  	s2 =	sld [smem:$0x3FD9]  }
0x89: {  	s3 =	sld [smem:$0x3FFE];
	_ =	sdelay $0x1  }
0x8a: {  	s1 =	srdreg.scid  }
0x8b: {  	s0 =	sand.u32 $0x1, s1  }
0x8c: {  	s17 =	sshll.u32 s0, $0xA;
	s2 =	sadd.s32 s3, s2  }
0x8d: {  	s2 =	sadd.s32 s2, s17  }
0x8e: {  	[smem:$0x3FC0] =	sst s2  }
0x8f: {  	_ = 	snop  }
0x90: {  	s2 =	sld [smem:$0x3FD0];
	(tm) =	ssettm $0x1  }
0x91: {  	s18 =	sld [smem:$0x3FFB];
	_ =	sdelay $0x3  }
0x92: {  	_ =	strace s18  }
0x93: {  	s3 =	sld [smem:$0x3FFC];
	_ =	sdelay $0x3  }
0x94: {  	_ =	strace s3  }
0x95: {  	s3 =	sld [smem:$0x3FFD];
	_ =	sdelay $0x3  }
0x96: {  	_ =	strace s3  }
0x97: {  	_ =	strace $0x8FFFFFFF  }
0x98: {  	s19 =	sld [smem:$0x3FDB];
	_ =	sdelay $0x1  }
0x99: {  	s4 =	simm.s32 $_scs_section_size  }
0x9a: {  	s5 =	simm.s32 $_size__tile_overlayer_lowered;
	s6 =	simm.s32 $_tile_overlayer_lowered  }
0x9b: {  	s22 =	simm.s32 $0x1BFF;
	s21 =	sshll.u32 s6, $0x1;
	s3 =	sadd.s32 s4, s19  }
0x9c: {  	s7 =	simm.s32 $0x0;
	s20 =	sshll.u32 s5, $0x1;
	s5 =	sadd.s32 s21, s3  }
0x9d: {  	[timem:s7], [sflag:s22] =	dma.local [hbm:s5], s20  }
0x9e: {  	_ =	swait.ge [sflag:s22], s20  }
0x9f: {  	s4 =	ssub.s32 $0x0, s20;
	[sflag:s22] =	ssyncset.done $0x0  }
0xa0: {  	[sflag:s22] =	ssyncadd.s32 s4;
	_ =	sdelay $0x1  }
0xa1: {  	s23 =	simm.s32 $0x1B8B  }
0xa2: {  	_ =	swait.ge [sflag:s23], $0x1  }
0xa3: {  	[sflag:s23] =	ssyncset.done $0x0  }
0xa4: {  	s25 =	simm.s32 $0x1B8E;
	s24 =	sld [smem:$0x3FFE];
	[sflag:s23] =	ssyncadd.s32 $0xFFFFFFFF  }
0xa5: {  	s26 =	simm.s32 $execute0_lowered;
	[smem:$0x3FD2] =	sst s25  }
0xa6: {  	s5 =	sshll.u32 s26, $0x1;
	_ =	strace $0x8000004C;
	[dreg:$0x1] =	wrdreg $0xFFFFFFFF  }
0xa7: {  	s28 =	simm.s32 $_size_execute0_lowered;
	s3 =	sadd.s32 s3, s5;
	[dreg:$0x0] =	wrdreg $0x0  }
0xa8: {  	s5 =	sshll.u32 s28, $0x1;
	[dreg:$0x2] =	wrdreg s3  }
0xa9: {  	[dreg:$0x3] =	wrdreg s5  }
0xaa: {  	[dreg:$0x4] =	wrdreg $0xC0  }
0xab: {  	_ =	task [dreg:s7], $0x5FFFF  }
0xac: {  	[dreg:$0x1] =	wrdreg $0xFFFFFFFF  }
0xad: {  	[dreg:$0x0] =	wrdreg $0x60  }
0xae: {  	[dreg:$0x2] =	wrdreg s24  }
0xaf: {  	[dreg:$0x3] =	wrdreg s2  }
0xb0: {  	[dreg:$0x4] =	wrdreg $0x90000  }
0xb1: {  	[dreg:$0x5] =	wrdreg $0x9  }
0xb2: {  	_ =	task.clear_ibuf [dreg:s7], $0x6FFFF;
	_ =	strace $0x9000004C  }
0xb3: {  	s29 =	simm.s32 $0x9;
	_ =	strace $0x8000004E  }
0xb4: {  	_ =	swait.ge [sflag:s29], $0x1  }
0xb5: {  	[sflag:s29] =	ssyncadd.s32 $0xFFFFFFFF  }
0xb6: {  	_ =	strace $0x9000004E  }
0xb7: {  	_ =	sfence  }
0xb8: {  	s30 =	sld [smem:$0x0];
	_ =	sdelay $0x2  }
0xb9: {  	s31 =	sshll.u32 s1, $0xD;
	s1 =	sshrl.u32 s1, $0x2  }
0xba: {  	s3 =	sand.u32 $0x4000, s31;
	s1 =	sadd.s32 s1, s30  }
0xbb: {  	s0 =	sor.u32 s3, s0;
	s1 =	sshll.u32 s1, $0x11  }
0xbc: {  	s0 =	sor.u32 s1, s0  }
0xbd: {  	s0 =	sadd.s32 $0x8F2B, s0  }
0xbe: {  	[sflag:s0] =	ssyncadd.remote.s32 $0x1  }
0xbf: {  	_ =	sfence.sel $0xFFFF  }
0xc0: {  	[dreg:$0x0] =	wrdreg $0xFFFFFFFF;
	(pc) =	sbr.abs _section_cstart, $3  }
0xc1: {  	[dreg:$0x1] =	wrdreg $0xFFFFFFFF  }
0xc2: {  	_ =	task.clear_ibuf [dreg:s7], $0x2FFFF;
	_ =	strace $0x9FFFFFFF  }
0xc3: {  	(tm) =	ssettm $0x7FFFFFFF  }
tec
execute0_lowered:
.L_overlay_start_1:
0x0: {  	(tag) =	ssettag $0x1  }
0x1: {  	s6 =	rddreg [dreg:$0x0]  }
0x2: {  	s7 =	rddreg [dreg:$0x1]  }
0x3: {  	s1 =	rddreg [dreg:$0x2];
	s2 =	srdreg.scid  }
0x4: {  	s0 =	rddreg [dreg:$0x3];
	s3 =	simm.s32 $0x0;
	s17 =	simm.s32 $0x5000  }
0x5: {  	s18 =	simm.s32 $0x0;
	s8 =	sand.u32 $0x1, s2;
	s2 =	stileid.u32  }
0x6: {  	[smem:$0x7FF] =	sst s3;
	s10 =	sadd.s32 $0x54E00, s6;
	s9 =	smul.u32 $0x500, s2  }
0x7: {  	s14 =	sadd.s32 $0x68E00, s6;
	s4 =	sshll.u32 s8, $0x5;
	s13 =	smul.u32 $0x280, s2  }
0x8: {  	_ =	strace $0x8000004D;
	s12 =	ssub.s32 $0x2, s8;
	s15 =	smul.u32 $0x50000, s2  }
0x9: {  	s16 =	smul.u32 $0x5000, s8;
	s8 =	sshllo.u32 s8, $0x1;
	s31 =	sshll.u32 s2, $0x6  }
0xa: {  	s5 =	sor.u32 s2, s4;
	s25 =	sshll.u32 s8, $0x4;
	s8 =	smul.u32 $0x2800, s8  }
0xb: {  	s4 =	sadd.s32 $0x1A8E00, s6;
	s24 =	sshrl.u32 s12, $0x1;
	s11 =	smul.u32 $0x500, s5  }
0xc: {  	s5 =	sadd.s32 $0x2600, s6;
	s12 =	ssub.s32 s12, s24;
	s6 =	sadd.s32 s7, s9  }
0xd: {  	s26 =	sshrl.u32 s15, $0x2;
	s9 =	sor.u32 s2, s25;
	s28 =	sadd.s32 s13, s16  }
0xe: {  	s16 =	simm.s32 $0x80;
	s9 =	smul.u32 $0x500, s9;
	s8 =	sadd.s32 s13, s8  }
0xf: {  	s29 =	sadd.s32 s26, s1;
	s30 =	sshll.u32 s28, $0x4;
	s7 =	sadd.s32 s10, s11  }
0x10: {  	s13 =	sshll.u32 s8, $0x4;
	s8 =	sadd.s32 s14, s30;
	s11 =	smax.u32 s12, $0x1  }
0x11: {  	s12 =	simm.s32 $0x2800;
	s15 =	sshrl.u32 s29, $0x3;
	s9 =	sadd.s32 s10, s9  }
0x12: {  	s10 =	sadd.s32 s14, s13;
	s13 =	simm.s32 $0x1;
	s14 =	sor.u32 $0x1C01, s31  }
.LBB2_1:
0x13: {  	[tilespmem:s12], [sflag:$0x1] =	stream.linear.gather [hbm4b:s6+s3], $0x2800, $0x38;
	[tilespmem:$0x1D000] =	vst v63  }
0x14: {  	_ =	swait.ge [sflag:s13], $0x2800  }
0x15: {  	[sflag:s13] =	ssyncset.done $0x0  }
0x16: {  	[sflag:s13] =	ssyncadd.s32 $0xFFFFD800  }
0x17: {  	[tilespmem:s3], [sflag:$0x1] =	stream.linear.gather [hbm4b:s7+s3], $0x2800, $0x38;
	[tilespmem:$0x1D000] =	vst v63  }
0x18: {  	_ =	swait.ge [sflag:s13], $0x2800  }
0x19: {  	[sflag:s13] =	ssyncset.done $0x0  }
0x1a: {  	[sflag:s13] =	ssyncadd.s32 $0xFFFFD800  }
0x1b: {  	[spmem:s15], [sflag:s14] =	dma.local [hbm:s5], $0x2800  }
0x1c: {  	_ =	swait.ge [sflag:s13], $0x2800  }
0x1d: {  	[sflag:s13] =	ssyncset.done $0x0  }
0x1e: {  	[sflag:s13] =	ssyncadd.s32 $0xFFFFD800  }
0x1f: {  	s19 =	simm.s32 $0x0;
	[bflag:$0x0] =	sbarrier.arrive $0xFFFF  }
0x20: {  	[tilespmem:s17], [sflag:$0x1] =	stream.indirect.gather [hbm4b:s4+s16], $0x80, s19, s16, $0xb8;
	[tilespmem:$0x1D000] =	vst v63  }
0x21: {  	_ =	swait.ge [sflag:s13], $0x4000  }
0x22: {  	[sflag:s13] =	ssyncset.done $0x0  }
0x23: {  	s31 =	simm.s32 $0x2800;
	[sflag:s13] =	ssyncadd.s32 $0xFFFFC000  }
0x24: {  	[spmem:s1] =	stream.indirect.scatter.add.f32 [tilespmem:s17], [sflag:$0x1], $0x80, s31, s16, $0xb8;
	[tilespmem:$0x1D000] =	vst v63  }
0x25: {  	_ =	swait.ge [sflag:s13], $0x4000  }
0x26: {  	s20 =	simm.s32 $0x400;
	s19 =	simm.s32 $0x200;
	[sflag:s13] =	ssyncset.done $0x0  }
.LBB2_2:
0x27: {  	s21 =	sshra.s32 s19, $0x2  }
0x28: {  	[sflag:s13] =	ssyncadd.s32 $0xFFFFC000;
	s19 =	smov.u32 s20;
	s22 =	sadd.s32 $0x200, s20  }
0x29: {  	[tilespmem:s17], [sflag:$0x1] =	stream.indirect.gather [hbm4b:s4+s16], $0x80, s21, s16, $0xb8;
	[tilespmem:$0x1D000] =	vst v63  }
0x2a: {  	p0 =	sne.s32 s20, $0x9E00;
	_ =	swait.ge [sflag:s13], $0x4000  }
.Ltmp0:
0x2b: {  	[sflag:s13] =	ssyncset.done $0x0;
	(pc) =	sbr.rel @p0 .LBB2_2-.Ltmp0, $4  }
0x2c: {  	s20 =	sadd.s32 $0x2800, s21;
	[sflag:s13] =	ssyncadd.s32 $0xFFFFC000  }
0x2d: {  	[spmem:s1] =	stream.indirect.scatter.add.f32 [tilespmem:s17], [sflag:$0x1], $0x80, s20, s16, $0xb8;
	[tilespmem:$0x1D000] =	vst v63  }
0x2e: {  	_ =	swait.ge [sflag:s13], $0x4000  }
0x2f: {  	s20 =	smov.u32 s22;
	[sflag:s13] =	ssyncset.done $0x0  }
0x30: {  	s19 =	sshra.s32 s19, $0x2;
	[sflag:s13] =	ssyncadd.s32 $0xFFFFC000  }
0x31: {  	[tilespmem:s17], [sflag:$0x1] =	stream.indirect.gather [hbm4b:s4+s16], $0x80, s19, s16, $0xb8;
	[tilespmem:$0x1D000] =	vst v63  }
0x32: {  	_ =	swait.ge [sflag:s13], $0x4000  }
0x33: {  	[sflag:s13] =	ssyncset.done $0x0  }
0x34: {  	s19 =	sadd.s32 $0x2800, s19;
	[sflag:s13] =	ssyncadd.s32 $0xFFFFC000  }
0x35: {  	[spmem:s1] =	stream.indirect.scatter.add.f32 [tilespmem:s17], [sflag:$0x1], $0x80, s19, s16, $0xb8;
	[tilespmem:$0x1D000] =	vst v63  }
0x36: {  	_ =	swait.ge [sflag:s13], $0x4000  }
0x37: {  	[sflag:s13] =	ssyncset.done $0x0  }
0x38: {  	[sflag:s13] =	ssyncadd.s32 $0xFFFFC000  }
0x39: {  	[bflag:$0x0] =	sbarrier.arrive $0xFFFF  }
0x3a: {  	[hbm:s8], [sflag:s14] =	dma.local [spmem:s15], $0x2800  }
0x3b: {  	_ =	swait.ge [sflag:s13], $0x2800  }
0x3c: {  	[sflag:s13] =	ssyncset.done $0x0  }
0x3d: {  	s29 =	simm.s32 $0x0;
	[sflag:s13] =	ssyncadd.s32 $0xFFFFD800  }
0x3e: {  	[tilespmem:s29], [sflag:$0x1] =	stream.linear.gather [hbm4b:s9+s29], $0x2800, $0x38;
	[tilespmem:$0x1D000] =	vst v63  }
0x3f: {  	_ =	swait.ge [sflag:s13], $0x2800  }
0x40: {  	[sflag:s13] =	ssyncset.done $0x0  }
0x41: {  	[sflag:s13] =	ssyncadd.s32 $0xFFFFD800  }
0x42: {  	[spmem:s15], [sflag:s14] =	dma.local [hbm:s5], $0x2800  }
0x43: {  	_ =	swait.ge [sflag:s13], $0x2800  }
0x44: {  	[sflag:s13] =	ssyncset.done $0x0  }
0x45: {  	[sflag:s13] =	ssyncadd.s32 $0xFFFFD800  }
0x46: {  	s30 =	simm.s32 $0x0;
	[bflag:$0x0] =	sbarrier.arrive $0xFFFF  }
0x47: {  	[tilespmem:s17], [sflag:$0x1] =	stream.indirect.gather [hbm4b:s4+s16], $0x80, s30, s16, $0xb8;
	[tilespmem:$0x1D000] =	vst v63  }
0x48: {  	_ =	swait.ge [sflag:s13], $0x4000  }
0x49: {  	[sflag:s13] =	ssyncset.done $0x0  }
0x4a: {  	s31 =	simm.s32 $0x2800;
	[sflag:s13] =	ssyncadd.s32 $0xFFFFC000  }
0x4b: {  	[spmem:s1] =	stream.indirect.scatter.add.f32 [tilespmem:s17], [sflag:$0x1], $0x80, s31, s16, $0xb8;
	[tilespmem:$0x1D000] =	vst v63  }
0x4c: {  	_ =	swait.ge [sflag:s13], $0x4000  }
0x4d: {  	s20 =	simm.s32 $0x400;
	s19 =	simm.s32 $0x200;
	[sflag:s13] =	ssyncset.done $0x0  }
.LBB2_4:
0x4e: {  	s21 =	sshra.s32 s19, $0x2  }
0x4f: {  	[sflag:s13] =	ssyncadd.s32 $0xFFFFC000;
	s19 =	smov.u32 s20;
	s22 =	sadd.s32 $0x200, s20  }
0x50: {  	[tilespmem:s17], [sflag:$0x1] =	stream.indirect.gather [hbm4b:s4+s16], $0x80, s21, s16, $0xb8;
	[tilespmem:$0x1D000] =	vst v63  }
0x51: {  	p0 =	sne.s32 s20, $0x9E00;
	_ =	swait.ge [sflag:s13], $0x4000  }
.Ltmp1:
0x52: {  	[sflag:s13] =	ssyncset.done $0x0;
	(pc) =	sbr.rel @p0 .LBB2_4-.Ltmp1, $4  }
0x53: {  	s20 =	sadd.s32 $0x2800, s21;
	[sflag:s13] =	ssyncadd.s32 $0xFFFFC000  }
0x54: {  	[spmem:s1] =	stream.indirect.scatter.add.f32 [tilespmem:s17], [sflag:$0x1], $0x80, s20, s16, $0xb8;
	[tilespmem:$0x1D000] =	vst v63  }
0x55: {  	_ =	swait.ge [sflag:s13], $0x4000  }
0x56: {  	s20 =	smov.u32 s22;
	[sflag:s13] =	ssyncset.done $0x0  }
0x57: {  	s19 =	sshra.s32 s19, $0x2;
	[sflag:s13] =	ssyncadd.s32 $0xFFFFC000  }
0x58: {  	[tilespmem:s17], [sflag:$0x1] =	stream.indirect.gather [hbm4b:s4+s16], $0x80, s19, s16, $0xb8;
	[tilespmem:$0x1D000] =	vst v63  }
0x59: {  	_ =	swait.ge [sflag:s13], $0x4000  }
0x5a: {  	[sflag:s13] =	ssyncset.done $0x0  }
0x5b: {  	s19 =	sadd.s32 $0x2800, s19;
	[sflag:s13] =	ssyncadd.s32 $0xFFFFC000  }
0x5c: {  	[spmem:s1] =	stream.indirect.scatter.add.f32 [tilespmem:s17], [sflag:$0x1], $0x80, s19, s16, $0xb8;
	[tilespmem:$0x1D000] =	vst v63  }
0x5d: {  	_ =	swait.ge [sflag:s13], $0x4000  }
0x5e: {  	s18 =	sadd.s32 $0x1, s18;
	[sflag:s13] =	ssyncset.done $0x0  }
0x5f: {  	p0 =	sne.s32 s18, s11;
	[sflag:s13] =	ssyncadd.s32 $0xFFFFC000  }
.Ltmp2:
0x60: {  	[bflag:$0x0] =	sbarrier.arrive $0xFFFF;
	(pc) =	sbr.rel @p0 .LBB2_1-.Ltmp2, $4  }
0x61: {  	[hbm:s10], [sflag:s14] =	dma.local [spmem:s15], $0x2800  }
0x62: {  	_ =	swait.ge [sflag:s13], $0x2800  }
0x63: {  	[sflag:s13] =	ssyncset.done $0x0  }
0x64: {  	[sflag:s13] =	ssyncadd.s32 $0xFFFFD800  }
0x65: {  	_ =	sfence.sel $0x180000  }
0x66: {  	[bflag:$0x0] =	sbarrier.arrive $0xFFFF  }
0x67: {  	p0 =	sne.s32 s2, $0x0;
	_ =	strace $0x9000004D  }
0x68: {  	s0 =	sadd.s32 @!p0 $0x100000, s0;
	[bflag:$0x2] =	sbarrier.arrive $0xFFFF  }
0x69: {  	[sflag:s0] =	ssyncadd.tile.s32 @!p0 $0x1;
	_ =	shalt  }
.Lfunc_end2:
_tile_overlayer_lowered:
.L_overlay_start_2:
0x6a: {  	(tag) =	ssettag $0x2  }
0x6b: {  	s0 =	rddreg [dreg:$0x0];
	s2 =	stileid.u32  }
0x6c: {  	s1 =	rddreg [dreg:$0x1];
	p0 =	sne.s32 s2, $0x0  }
0x6d: {  	s3 =	rddreg [dreg:$0x2];
	[bflag:$0x3] =	sbarrier.arrive $0xFFFF;
	s2 =	simm.s32 @!p0 $0x1C01  }
0x6e: {  	[timem:s3], [sflag:s2] =	dma.local @!p0 [hbm:s0], s1  }
0x6f: {  	s0 =	simm.s32 @!p0 $0x1  }
0x70: {  	_ =	swait.ge @!p0 [sflag:s0], s1  }
0x71: {  	s1 =	ssub.s32 @!p0 $0x0, s1;
	[sflag:s0] =	ssyncset.done @!p0 $0x0  }
0x72: {  	[sflag:s0] =	ssyncadd.s32 @!p0 s1  }
0x73: {  	[bflag:$0x3] =	sbarrier.arrive $0xFFFF  }
0x74: {  	_ =	shalt  }

// kernel: kernel.8.cloned.1.call-start
scs
__scs_entry_jumppad:
0x0: {  	(pc) =	sbr.rel $0x88, $3  }
0x1: {  	(tag) =	ssettag $0x0;
	lr =	simm.s32 $0x1  }
0x2: {  	[smem:$0x3F99] =	sst lr;
	_ =	strace $0xD0000000  }
0x3: {  	_ = 	snop  }
0x4: {  	_ = 	snop  }
0x5: {  	_ = 	snop  }
0x6: {  	_ = 	snop  }
0x7: {  	_ = 	snop  }
__scs_overlays_trampoline_lowered:
0x8: {  	[smem:$0x3FA8] =	sst s0  }
0x9: {  	[smem:$0x3FA9] =	sst s1  }
0xa: {  	[smem:$0x3FAA] =	sst s2  }
0xb: {  	[smem:$0x3FAB] =	sst s3  }
0xc: {  	[smem:$0x3FAC] =	sst s4  }
0xd: {  	[smem:$0x3FAD] =	sst s5  }
0xe: {  	[smem:$0x3FAE] =	sst s6  }
0xf: {  	[smem:$0x3FAF] =	sst s7  }
0x10: {  	[smem:$0x3FB0] =	sst s8  }
0x11: {  	[smem:$0x3FB1] =	sst s9;
	s0 =	simm.s32 @!p0 $0x0  }
0x12: {  	s1 =	sld [smem:$0x3F97];
	s0 =	simm.s32 @p0 $0x1  }
0x13: {  	[smem:$0x3FB2] =	sst s0;
	s0 =	simm.s32 @!p1 $0x0  }
0x14: {  	s2 =	sld [smem:$0x3F96];
	s0 =	simm.s32 @p1 $0x1  }
0x15: {  	[smem:$0x3FB3] =	sst s0;
	s0 =	simm.s32 @!p2 $0x0  }
0x16: {  	s3 =	sld [smem:$0x3FDB];
	s0 =	simm.s32 @p2 $0x1  }
0x17: {  	s4 =	simm.s32 $0x1BF5;
	[smem:$0x3FB5] =	sst s0  }
0x18: {  	s0 =	sld [smem:$0x3F98];
	_ =	swait.ge [sflag:s4], $0x0  }
0x19: {  	s7 =	sld [smem:$0x3F99]  }
0x1a: {  	s8 =	sadd.s32 $0xFFFFE003, lr  }
0x1b: {  	s9 =	sadd.s32 $0xFFFFFEF7, lr;
	s5 =	simm.s32 $0xFFFFFFFF;
	p2 =	slt.u32 s8, $0xFFFFF086  }
0x1c: {  	p1 =	slt.u32 s9, $0xF7A;
	s5 =	simm.s32 @!p2 $0x0  }
0x1d: {  	s5 =	simm.s32 @p1 $0x1;
	p0 =	seq.s32 s7, s2  }
0x1e: {  	s7 =	smul.u32 @!p0 $0xF7A, s2;
	p2 =	seq.s32 @!p0 s5, $0x0  }
0x1f: {  	s9 =	smul.u32 $0xF7A, s1;
	s8 =	simm.s32 @!p0 $0x1BF5;
	p2 =	por !p2, p0  }
0x20: {  	[sflag:s8] =	ssyncset.s32 @!p0 $0xFFFFF086;
	s6 =	sadd.s32 @!p0 s3, s7;
	s7 =	simm.s32 @!p0 $0x108  }
0x21: {  	s3 =	sadd.s32 s3, s9;
	s6 =	sadd.s32 @!p0 $0x88, s6;
	s7 =	simm.s32 @p2 $0x1082  }
0x22: {  	[simem:s7], [sflag:s8] =	dma.local @!p0 [hbm:s6], $0xF7A  }
0x23: {  	s9 =	sor.u32 $0xD0000000, s2;
	s6 =	simm.s32 $0x108;
	_ =	swait.ge @!p0 [sflag:s8], $0x0  }
0x24: {  	s3 =	sadd.s32 $0x88, s3;
	s6 =	simm.s32 @!p1 $0x1082;
	[sflag:s4] =	ssyncset.s32 $0xFFFFF086  }
0x25: {  	[simem:s6], [sflag:s4] =	dma.local [hbm:s3], $0xF7A  }
0x26: {  	[smem:$0x3F99] =	sst s1;
	(tag) =	ssettag s2;
	_ =	strace s9  }
0x27: {  	s1 =	sld [smem:$0x3FA9]  }
0x28: {  	s2 =	sld [smem:$0x3FAA]  }
0x29: {  	s4 =	sld [smem:$0x3FAC]  }
0x2a: {  	p0 =	seq.s32 s5, $0x0;
	s5 =	sld [smem:$0x3FAD]  }
0x2b: {  	s6 =	sld [smem:$0x3FAE]  }
0x2c: {  	s7 =	sld [smem:$0x3FAF]  }
0x2d: {  	s3 =	simm.s32 $0x108;
	s8 =	sld [smem:$0x3FB0]  }
0x2e: {  	s3 =	simm.s32 @!p0 $0x1082;
	s9 =	sld [smem:$0x3FB1]  }
0x2f: {  	lr =	sadd.s32 s0, s3;
	s0 =	sld [smem:$0x3FA8]  }
0x30: {  	s3 =	sld [smem:$0x3FAB]  }
0x31: {  	[smem:$0x3FB4] =	sst s10  }
0x32: {  	s10 =	sld [smem:$0x3FB2];
	_ =	sdelay $0x3  }
0x33: {  	p0 =	seq.s32 s10, $0x1;
	s10 =	sld [smem:$0x3FB4];
	_ =	sdelay $0x3  }
0x34: {  	[smem:$0x3FB4] =	sst s10  }
0x35: {  	s10 =	sld [smem:$0x3FB3];
	_ =	sdelay $0x3  }
0x36: {  	p1 =	seq.s32 s10, $0x1;
	s10 =	sld [smem:$0x3FB4];
	_ =	sdelay $0x3  }
0x37: {  	[smem:$0x3FB4] =	sst s10  }
0x38: {  	s10 =	sld [smem:$0x3FB5]  }
0x39: {  	_ = 	snop;
	(pc) =	sbr.ind lr, $3  }
0x3a: {  	_ = 	snop  }
0x3b: {  	_ = 	snop  }
0x3c: {  	p2 =	seq.s32 s10, $0x1;
	s10 =	sld [smem:$0x3FB4]  }
0x3d: {  	_ =	shalt  }
0x3e: {  	_ =	shalt  }
0x3f: {  	_ =	shalt  }
0x40: {  	_ =	shalt  }
0x41: {  	_ =	shalt  }
0x42: {  	_ =	shalt  }
0x43: {  	_ =	shalt  }
0x44: {  	_ =	shalt  }
0x45: {  	_ =	shalt  }
0x46: {  	_ =	shalt  }
0x47: {  	_ =	shalt  }
0x48: {  	_ =	shalt  }
0x49: {  	_ =	shalt  }
0x4a: {  	_ =	shalt  }
0x4b: {  	_ =	shalt  }
0x4c: {  	_ =	shalt  }
0x4d: {  	_ =	shalt  }
0x4e: {  	_ =	shalt  }
0x4f: {  	_ =	shalt  }
0x50: {  	_ =	shalt  }
0x51: {  	_ =	shalt  }
0x52: {  	_ =	shalt  }
0x53: {  	_ =	shalt  }
0x54: {  	_ =	shalt  }
0x55: {  	_ =	shalt  }
0x56: {  	_ =	shalt  }
0x57: {  	_ =	shalt  }
0x58: {  	_ =	shalt  }
0x59: {  	_ =	shalt  }
0x5a: {  	_ =	shalt  }
0x5b: {  	_ =	shalt  }
0x5c: {  	_ =	shalt  }
0x5d: {  	_ =	shalt  }
0x5e: {  	_ =	shalt  }
0x5f: {  	_ =	shalt  }
0x60: {  	_ =	shalt  }
0x61: {  	_ =	shalt  }
0x62: {  	_ =	shalt  }
0x63: {  	_ =	shalt  }
0x64: {  	_ =	shalt  }
0x65: {  	_ =	shalt  }
0x66: {  	_ =	shalt  }
0x67: {  	_ =	shalt  }
0x68: {  	_ =	shalt  }
0x69: {  	_ =	shalt  }
0x6a: {  	_ =	shalt  }
0x6b: {  	_ =	shalt  }
0x6c: {  	_ =	shalt  }
0x6d: {  	_ =	shalt  }
0x6e: {  	_ =	shalt  }
0x6f: {  	_ =	shalt  }
0x70: {  	_ =	shalt  }
0x71: {  	_ =	shalt  }
0x72: {  	_ =	shalt  }
0x73: {  	_ =	shalt  }
0x74: {  	_ =	shalt  }
0x75: {  	_ =	shalt  }
0x76: {  	_ =	shalt  }
0x77: {  	_ =	shalt  }
0x78: {  	_ =	shalt  }
0x79: {  	_ =	shalt  }
0x7a: {  	_ =	shalt  }
0x7b: {  	_ =	shalt  }
0x7c: {  	_ =	shalt  }
0x7d: {  	_ =	shalt  }
0x7e: {  	_ =	shalt  }
0x7f: {  	_ =	shalt  }
0x80: {  	_ =	shalt  }
0x81: {  	_ =	shalt  }
0x82: {  	_ =	shalt  }
0x83: {  	_ =	shalt  }
0x84: {  	_ =	shalt  }
0x85: {  	_ =	shalt  }
0x86: {  	_ =	shalt  }
0x87: {  	_ =	shalt  }
.Lfunc_end0:
.L_simem_size_0:
called_computation_lowered:
.L_overlay_start_0:
0x88: {  	s2 =	sld [smem:$0x3FD9]  }
0x89: {  	s3 =	sld [smem:$0x3FFE];
	_ =	sdelay $0x1  }
0x8a: {  	s1 =	srdreg.scid  }
0x8b: {  	s0 =	sand.u32 $0x1, s1  }
0x8c: {  	s17 =	sshll.u32 s0, $0xA;
	s2 =	sadd.s32 s3, s2  }
0x8d: {  	s2 =	sadd.s32 s2, s17  }
0x8e: {  	[smem:$0x3FC0] =	sst s2  }
0x8f: {  	_ = 	snop  }
0x90: {  	s2 =	sld [smem:$0x3FD0];
	(tm) =	ssettm $0x1  }
0x91: {  	s18 =	sld [smem:$0x3FFB];
	_ =	sdelay $0x3  }
0x92: {  	_ =	strace s18  }
0x93: {  	s3 =	sld [smem:$0x3FFC];
	_ =	sdelay $0x3  }
0x94: {  	_ =	strace s3  }
0x95: {  	s3 =	sld [smem:$0x3FFD];
	_ =	sdelay $0x3  }
0x96: {  	_ =	strace s3  }
0x97: {  	_ =	strace $0x8FFFFFFF  }
0x98: {  	s19 =	sld [smem:$0x3FDB];
	_ =	sdelay $0x1  }
0x99: {  	s4 =	simm.s32 $_scs_section_size  }
0x9a: {  	s5 =	simm.s32 $_size__tile_overlayer_lowered;
	s6 =	simm.s32 $_tile_overlayer_lowered  }
0x9b: {  	s22 =	simm.s32 $0x1BFF;
	s21 =	sshll.u32 s6, $0x1;
	s3 =	sadd.s32 s4, s19  }
0x9c: {  	s7 =	simm.s32 $0x0;
	s20 =	sshll.u32 s5, $0x1;
	s5 =	sadd.s32 s21, s3  }
0x9d: {  	[timem:s7], [sflag:s22] =	dma.local [hbm:s5], s20  }
0x9e: {  	_ =	swait.ge [sflag:s22], s20  }
0x9f: {  	s4 =	ssub.s32 $0x0, s20;
	[sflag:s22] =	ssyncset.done $0x0  }
0xa0: {  	[sflag:s22] =	ssyncadd.s32 s4;
	_ =	sdelay $0x1  }
0xa1: {  	s23 =	simm.s32 $0x1B8B  }
0xa2: {  	_ =	swait.ge [sflag:s23], $0x1  }
0xa3: {  	[sflag:s23] =	ssyncset.done $0x0  }
0xa4: {  	s25 =	simm.s32 $0x1B8E;
	s24 =	sld [smem:$0x3FFE];
	[sflag:s23] =	ssyncadd.s32 $0xFFFFFFFF  }
0xa5: {  	s26 =	simm.s32 $execute0_lowered;
	[smem:$0x3FD2] =	sst s25  }
0xa6: {  	s5 =	sshll.u32 s26, $0x1;
	_ =	strace $0x80000046;
	[dreg:$0x1] =	wrdreg $0xFFFFFFFF  }
0xa7: {  	s28 =	simm.s32 $_size_execute0_lowered;
	s3 =	sadd.s32 s3, s5;
	[dreg:$0x0] =	wrdreg $0x0  }
0xa8: {  	s5 =	sshll.u32 s28, $0x1;
	[dreg:$0x2] =	wrdreg s3  }
0xa9: {  	[dreg:$0x3] =	wrdreg s5  }
0xaa: {  	[dreg:$0x4] =	wrdreg $0xC0  }
0xab: {  	_ =	task [dreg:s7], $0x5FFFF  }
0xac: {  	[dreg:$0x1] =	wrdreg $0xFFFFFFFF  }
0xad: {  	[dreg:$0x0] =	wrdreg $0x60  }
0xae: {  	[dreg:$0x2] =	wrdreg s2  }
0xaf: {  	[dreg:$0x3] =	wrdreg s24  }
0xb0: {  	[dreg:$0x4] =	wrdreg $0x54000  }
0xb1: {  	[dreg:$0x5] =	wrdreg $0x9  }
0xb2: {  	_ =	task.clear_ibuf [dreg:s7], $0x6FFFF;
	_ =	strace $0x90000046  }
0xb3: {  	s29 =	simm.s32 $0x9;
	_ =	strace $0x80000048  }
0xb4: {  	_ =	swait.ge [sflag:s29], $0x1  }
0xb5: {  	[sflag:s29] =	ssyncadd.s32 $0xFFFFFFFF  }
0xb6: {  	_ =	strace $0x90000048  }
0xb7: {  	_ =	sfence  }
0xb8: {  	s30 =	sld [smem:$0x0];
	_ =	sdelay $0x2  }
0xb9: {  	s31 =	sshll.u32 s1, $0xD;
	s1 =	sshrl.u32 s1, $0x2  }
0xba: {  	s3 =	sand.u32 $0x4000, s31;
	s1 =	sadd.s32 s1, s30  }
0xbb: {  	s0 =	sor.u32 s3, s0;
	s1 =	sshll.u32 s1, $0x11  }
0xbc: {  	s0 =	sor.u32 s1, s0  }
0xbd: {  	s0 =	sadd.s32 $0x8F2B, s0  }
0xbe: {  	[sflag:s0] =	ssyncadd.remote.s32 $0x1  }
0xbf: {  	_ =	sfence.sel $0xFFFF  }
0xc0: {  	[dreg:$0x0] =	wrdreg $0xFFFFFFFF;
	(pc) =	sbr.abs _section_cstart, $3  }
0xc1: {  	[dreg:$0x1] =	wrdreg $0xFFFFFFFF  }
0xc2: {  	_ =	task.clear_ibuf [dreg:s7], $0x2FFFF;
	_ =	strace $0x9FFFFFFF  }
0xc3: {  	(tm) =	ssettm $0x7FFFFFFF  }
tec
execute0_lowered:
.L_overlay_start_1:
0x0: {  	(tag) =	ssettag $0x1  }
0x1: {  	s6 =	rddreg [dreg:$0x0]  }
0x2: {  	s7 =	rddreg [dreg:$0x1]  }
0x3: {  	s1 =	rddreg [dreg:$0x2]  }
0x4: {  	s0 =	rddreg [dreg:$0x3];
	s3 =	simm.s32 $0x0  }
0x5: {  	s4 =	srdreg.scid;
	s2 =	stileid.u32;
	s13 =	simm.s32 $0x80  }
0x6: {  	s14 =	simm.s32 $0x0;
	[smem:$0x7FF] =	sst s3;
	s8 =	sand.u32 $0x1, s4  }
0x7: {  	s9 =	smul.u32 $0x2800, s2;
	s4 =	sadd.s32 $0x1E00, s7;
	s5 =	sadd.s32 $0x2600, s7  }
0x8: {  	s12 =	smul.u32 $0x50000, s2;
	s31 =	sshll.u32 s2, $0x6;
	_ =	strace $0x80000047  }
0x9: {  	s10 =	smul.u32 $0x28000, s8;
	s11 =	sshll.u32 s8, $0x4;
	s8 =	ssub.s32 $0x2, s8  }
0xa: {  	s11 =	sor.u32 s2, s11;
	s29 =	sshrl.u32 s8, $0x1;
	s30 =	sshrl.u32 s12, $0x2  }
0xb: {  	s9 =	sadd.s32 s9, s10;
	s28 =	smul.u32 $0x280, s11;
	s8 =	ssub.s32 s8, s29  }
0xc: {  	s12 =	sadd.s32 s30, s1;
	s10 =	simm.s32 $0x1400;
	s11 =	sor.u32 $0x1C01, s31  }
0xd: {  	s7 =	sadd.s32 s9, s7;
	s8 =	smax.u32 s8, $0x1;
	s9 =	simm.s32 $0x1  }
0xe: {  	s12 =	sshrl.u32 s12, $0x3;
	s6 =	sadd.s32 s6, s28;
	s7 =	sadd.s32 $0x4E00, s7  }
.LBB2_1:
0xf: {  	[tilespmem:s3], [sflag:$0x1] =	stream.linear.gather [hbm4b:s6+s3], $0x1400, $0x38;
	[tilespmem:$0x19400] =	vst v63  }
0x10: {  	_ =	swait.ge [sflag:s9], $0x1400  }
0x11: {  	[sflag:s9] =	ssyncset.done $0x0  }
0x12: {  	[sflag:s9] =	ssyncadd.s32 $0xFFFFEC00  }
0x13: {  	[tilespmem:s10], [sflag:$0x1] =	stream.linear.gather [hbm4b:s4+s3], $0x4000, $0x38;
	[tilespmem:$0x19400] =	vst v63  }
0x14: {  	_ =	swait.ge [sflag:s9], $0x4000  }
0x15: {  	[sflag:s9] =	ssyncset.done $0x0  }
0x16: {  	[sflag:s9] =	ssyncadd.s32 $0xFFFFC000  }
0x17: {  	[spmem:s12], [sflag:s11] =	dma.local [hbm:s5], $0x2800  }
0x18: {  	_ =	swait.ge [sflag:s9], $0x2800  }
0x19: {  	[sflag:s9] =	ssyncset.done $0x0  }
0x1a: {  	[sflag:s9] =	ssyncadd.s32 $0xFFFFD800  }
0x1b: {  	s15 =	simm.s32 $0x0;
	[bflag:$0x0] =	sbarrier.arrive $0xFFFF  }
0x1c: {  	[spmem:s1] =	stream.indirect.scatter.add.f32 [tilespmem:s10], [sflag:$0x1], $0x80, s15, s13, $0xb8;
	[tilespmem:$0x19400] =	vst v63  }
0x1d: {  	_ =	swait.ge [sflag:s9], $0x4000  }
0x1e: {  	s15 =	simm.s32 $0x200;
	[sflag:s9] =	ssyncset.done $0x0  }
.LBB2_2:
0x1f: {  	s16 =	sshra.s32 s15, $0x2;
	[sflag:s9] =	ssyncadd.s32 $0xFFFFC000;
	p0 =	sne.s32 s15, $0x4E00  }
0x20: {  	[spmem:s1] =	stream.indirect.scatter.add.f32 [tilespmem:s10], [sflag:$0x1], $0x80, s16, s13, $0xb8;
	[tilespmem:$0x19400] =	vst v63  }
.Ltmp0:
0x21: {  	_ = 	snop;
	(pc) =	sbr.rel @p0 .LBB2_2-.Ltmp0, $4  }
0x22: {  	_ = 	snop  }
0x23: {  	s15 =	sadd.s32 $0x200, s15  }
0x24: {  	_ =	swait.ge [sflag:s9], $0x4000  }
0x25: {  	[sflag:s9] =	ssyncset.done $0x0  }
0x26: {  	s14 =	sadd.s32 $0x1, s14  }
0x27: {  	[sflag:s9] =	ssyncadd.s32 $0xFFFFC000;
	p0 =	sne.s32 s14, s8  }
.Ltmp1:
0x28: {  	[bflag:$0x0] =	sbarrier.arrive $0xFFFF;
	(pc) =	sbr.rel @p0 .LBB2_1-.Ltmp1, $4  }
0x29: {  	[hbm:s7], [sflag:s11] =	dma.local [spmem:s12], $0x2800  }
0x2a: {  	_ =	swait.ge [sflag:s9], $0x2800  }
0x2b: {  	[sflag:s9] =	ssyncset.done $0x0  }
0x2c: {  	[sflag:s9] =	ssyncadd.s32 $0xFFFFD800  }
0x2d: {  	_ =	sfence.sel $0x180000  }
0x2e: {  	[bflag:$0x0] =	sbarrier.arrive $0xFFFF  }
0x2f: {  	p0 =	sne.s32 s2, $0x0;
	_ =	strace $0x90000047  }
0x30: {  	s0 =	sadd.s32 @!p0 $0x100000, s0;
	[bflag:$0x2] =	sbarrier.arrive $0xFFFF  }
0x31: {  	[sflag:s0] =	ssyncadd.tile.s32 @!p0 $0x1;
	_ =	shalt  }
.Lfunc_end2:
_tile_overlayer_lowered:
.L_overlay_start_2:
0x32: {  	(tag) =	ssettag $0x2  }
0x33: {  	s0 =	rddreg [dreg:$0x0];
	s2 =	stileid.u32  }
0x34: {  	s1 =	rddreg [dreg:$0x1];
	p0 =	sne.s32 s2, $0x0  }
0x35: {  	s3 =	rddreg [dreg:$0x2];
	[bflag:$0x3] =	sbarrier.arrive $0xFFFF;
	s2 =	simm.s32 @!p0 $0x1C01  }
0x36: {  	[timem:s3], [sflag:s2] =	dma.local @!p0 [hbm:s0], s1  }
0x37: {  	s0 =	simm.s32 @!p0 $0x1  }
0x38: {  	_ =	swait.ge @!p0 [sflag:s0], s1  }
0x39: {  	s1 =	ssub.s32 @!p0 $0x0, s1;
	[sflag:s0] =	ssyncset.done @!p0 $0x0  }
0x3a: {  	[sflag:s0] =	ssyncadd.s32 @!p0 s1  }
0x3b: {  	[bflag:$0x3] =	sbarrier.arrive $0xFFFF  }
0x3c: {  	_ =	shalt  }

</sc_bundles>
